<compile_context>
chip_gen: v7x
topology: tpu7x:2x2x1
jax: 0.10.2.dev20260603
libtpu: 0.0.44.dev20260713+nightly
codegen_flags: <defaults>
</compile_context>

<pallas_src>
import jax
import jax.numpy as jnp
from jax import lax
from jax.experimental import pallas as pl
from jax.experimental.pallas import tpu as pltpu
from jax.experimental.pallas import tpu_sc as plsc

B, N, D = 16, 4096, 3
S = 9
T = 8
RPB = N // 128


def _tc_err_prefix(p_ref, t_ref, c_ref):
    hp = jax.lax.Precision.DEFAULT
    ones3 = jnp.ones((1, D), jnp.float32)
    kk = lax.broadcasted_iota(jnp.int32, (128, 128), 0)
    jj = lax.broadcasted_iota(jnp.int32, (128, 128), 1)
    u = (kk < jj).astype(jnp.float32)
    ii = lax.broadcasted_iota(jnp.int32, (RPB, RPB), 0)
    rr = lax.broadcasted_iota(jnp.int32, (RPB, RPB), 1)
    lb = (rr < ii).astype(jnp.float32)
    for b in range(B):
        d = p_ref[b] - t_ref[b]
        sq = d * d
        r2 = lax.dot(ones3, sq, precision=hp,
                     preferred_element_type=jnp.float32)
        e = jnp.sqrt(r2).reshape(RPB, 128)
        intra = lax.dot(e, u, precision=hp,
                        preferred_element_type=jnp.float32)
        bp = lax.dot(lb, jnp.sum(e, axis=1, keepdims=True), precision=hp,
                     preferred_element_type=jnp.float32)
        c_ref[b] = intra + bp


def _sc_segments(c_hbm, ip_hbm, tp_hbm, part_hbm, cv, iv, tyv, lbuf):
    cid = lax.axis_index("c")
    sid = lax.axis_index("s")

    @pl.when(cid == 0)
    def _work():
        pltpu.sync_copy(c_hbm.at[sid], cv)
        pltpu.sync_copy(ip_hbm.at[sid], iv)
        pltpu.sync_copy(tp_hbm.at[sid], tyv)

        lanes = lax.iota(jnp.int32, 16)
        m8 = lanes < 8
        seg = jnp.where(m8, lanes, 0)
        starts = plsc.load_gather(iv, [seg], mask=m8)
        ends = plsc.load_gather(iv, [jnp.where(m8, lanes + 1, 0)], mask=m8)
        zero = jnp.zeros((16,), jnp.int32)
        s_i = jnp.where(m8, starts, 0)
        e_i = jnp.where(m8, ends, 0)
        cs = plsc.load_gather(cv, [s_i >> 7, s_i & 127], mask=m8)
        ce = plsc.load_gather(cv, [e_i >> 7, e_i & 127], mask=m8)
        seglen = (ends - starts).astype(jnp.float32)
        mean = (ce - cs) / jnp.where(m8, seglen, 1.0)

        bv = plsc.load_gather(tyv, [seg, zero], mask=m8)
        bi = zero
        for j in range(1, T):
            vj = plsc.load_gather(tyv, [seg, zero + j], mask=m8)
            upd = vj > bv
            bi = jnp.where(upd, j, bi)
            bv = jnp.where(upd, vj, bv)

        tsum = jnp.zeros((16,), jnp.float32)
        tcnt = jnp.zeros((16,), jnp.float32)
        for t in range(T):
            mt = m8 & (bi == t)
            st = jnp.sum(jnp.where(mt, mean, 0.0))
            ct = jnp.sum(jnp.where(mt, 1.0, 0.0))
            tsum = jnp.where(lanes == t, st, tsum)
            tcnt = jnp.where(lanes == t, ct, tcnt)

        lbuf[pl.ds(0, 16)] = tsum
        lbuf[pl.ds(16, 16)] = tcnt
        pltpu.sync_copy(lbuf, part_hbm.at[sid])


@jax.jit
def kernel(pred, target, indices, indices_type):
    pt = pred.transpose(0, 2, 1)
    tt = target.transpose(0, 2, 1)
    c3 = pl.pallas_call(
        _tc_err_prefix,
        out_shape=jax.ShapeDtypeStruct((B, RPB, 128), jnp.float32),
    )(pt, tt)

    mesh = plsc.VectorSubcoreMesh(
        core_axis_name="c", subcore_axis_name="s",
        num_cores=2, num_subcores=16)
    sc = pl.kernel(
        _sc_segments,
        out_type=jax.ShapeDtypeStruct((B, 32), jnp.float32),
        mesh=mesh,
        scratch_types=[
            pltpu.VMEM((RPB, 128), jnp.float32),
            pltpu.VMEM((S,), jnp.int32),
            pltpu.VMEM((S, T), jnp.float32),
            pltpu.VMEM((32,), jnp.float32),
        ],
        compiler_params=pltpu.CompilerParams(needs_layout_passes=False),
    )
    part = sc(c3, indices, indices_type)
    acc_s = jnp.sum(part[:, :T], axis=0)
    acc_c = jnp.sum(part[:, 16:16 + T], axis=0)
    return jnp.where(acc_c > 0.0, acc_s / jnp.maximum(acc_c, 1.0), 0.0)

# --- scband reference (transcript-rebuilt; emitter-appended) ---
"""Pipeline reference for scband-l2-accuracy-15427522527883 (READ-ONLY COPY).

The authoritative reference and input builder live on the scoring server;
editing this copy changes nothing except your own understanding.
"""

import jax, jax.numpy as jnp
import numpy as np

GARMENT_TYPE = ["tshirt", "shirt", "pants", "skirt", "dress", "jacket", "jumpsuit", "top"]

def setup_inputs(seed: int = 0) -> dict:
    key = jax.random.key(seed)
    k1, k2, k3, k4 = jax.random.split(key, 4)
    B, N, D, S, T = 16, 4096, 3, 9, 8
    pred = jax.random.normal(k1, (B, N, D), dtype=jnp.float32)
    target = jax.random.normal(k2, (B, N, D), dtype=jnp.float32)
    # strictly increasing cumulative segment boundaries in [0, N)
    base = jnp.sort(jax.random.randint(k3, (B, S), 0, N - S), axis=1)
    indices = (base + jnp.arange(S, dtype=jnp.int32)[None, :]).astype(jnp.int32)
    indices_type = jax.random.normal(k4, (B, S, T), dtype=jnp.float32)
    return {"pred": pred, "target": target, "indices": indices, "indices_type": indices_type}

def reference(pred, target, indices, indices_type):
    n_types = len(GARMENT_TYPE)
    # square_error = F.mse_loss(pred, label, reduction='none'); sqrt(sum(..., -1))
    sq = (pred - target) ** 2
    err = jnp.sqrt(jnp.sum(sq, axis=-1))  # [B, N]
    B, N = err.shape
    # per-segment mean of err over [start, end) via prefix sums (segment reduce)
    c = jnp.concatenate([jnp.zeros((B, 1), err.dtype), jnp.cumsum(err, axis=1)], axis=1)  # [B, N+1]
    starts = indices[:, :-1]
    ends = indices[:, 1:]
    seg_sum = jnp.take_along_axis(c, ends, axis=1) - jnp.take_along_axis(c, starts, axis=1)  # [B, S-1]
    lengths = (ends - starts).astype(err.dtype)
    seg_mean = seg_sum / lengths  # [B, S-1], torch.mean(b_error[start:end])
    # garment type of each segment: argmax over one-hot row i-1
    types = jnp.argmax(indices_type[:, :-1, :], axis=-1)  # [B, S-1]
    flat_means = seg_mean.reshape(-1)
    flat_types = types.reshape(-1)
    # group segment errors by garment type and mean (acc_dict accumulation + torch.mean(torch.stack))
    type_sum = jax.ops.segment_sum(flat_means, flat_types, num_segments=n_types)
    type_cnt = jax.ops.segment_sum(jnp.ones_like(flat_means), flat_types, num_segments=n_types)
    # missing garment types get zeros (torch.zeros(1) fill-in)
    out = jnp.where(type_cnt > 0, type_sum / jnp.maximum(type_cnt, 1.0), jnp.zeros_like(type_sum))
    return out  # [n_types], ordered by GARMENT_TYPE (dict values stacked)

if __name__ == "__main__":
    import jax
    _d = setup_inputs()
    print(jax.jit(kernel)(*tuple(_d.values())))

</pallas_src>

<mosaic_0001>
#map = affine_map<(d0, d1) -> (0, 0, 0)>
#map1 = affine_map<(d0, d1) -> (0, 0)>
module attributes {stable_mosaic.version = 14 : i64} {
  func.func @_sc_segments(%arg0: i32, %arg1: i32, %arg2: memref<16x32x128xf32, #tpu.memory_space<hbm>>, %arg3: memref<16x9xi32, #tpu.memory_space<hbm>>, %arg4: memref<16x9x8xf32, #tpu.memory_space<hbm>>, %arg5: memref<16x32xf32, #tpu.memory_space<hbm>>, %arg6: memref<32x128xf32, #tpu.memory_space<vmem>>, %arg7: memref<9xi32, #tpu.memory_space<vmem>>, %arg8: memref<9x8xf32, #tpu.memory_space<vmem>>, %arg9: memref<32xf32, #tpu.memory_space<vmem>>) attributes {dimension_semantics = [#tpu.dimension_semantics<core_parallel>, #tpu.dimension_semantics<subcore_parallel>], iteration_bounds = array<i64: 2, 16>, scalar_prefetch = 0 : i64, scratch_operands = 4 : i64, tpu.core_type = #tpu.core_type<sc_vector_subcore>, window_params = [{transform_indices = #map}, {transform_indices = #map1}, {transform_indices = #map}, {transform_indices = #map1}]} {
    %eq3A = arith.constant 0 : i32
    %eq3A_0 = arith.cmpi eq, %arg0, %eq3A : i32
    %convert_element_type3A = arith.extui %eq3A_0 : i1 to i32
    %cond3A = arith.constant 0 : i32
    %cond3A_1 = arith.cmpi ne, %convert_element_type3A, %cond3A : i32
    scf.if %cond3A_1 {
      "tpu.region"() ({
        %run_scoped3A = tpu.sem_alloc : memref<!tpu.dma_semaphore, #tpu.memory_space<semaphore_mem>>
        %dma_start3A = arith.constant 0 : i32
        %dma_start3A_344 = arith.constant 0 : i32
        %dma_start3A_345 = tpu.memref_slice %arg2[%arg1, %dma_start3A, %dma_start3A_344] : memref<16x32x128xf32, #tpu.memory_space<hbm>> -> memref<1x32x128xf32, #tpu.memory_space<hbm>>
        %dma_start3A_346 = tpu.memref_squeeze %dma_start3A_345 : memref<1x32x128xf32, #tpu.memory_space<hbm>> -> memref<32x128xf32, #tpu.memory_space<hbm>>
        %dma_start3A_347 = arith.constant 0 : i32
        %dma_start3A_348 = arith.constant 0 : i32
        %dma_start3A_349 = tpu.memref_slice %arg2[%arg1, %dma_start3A_347, %dma_start3A_348] : memref<16x32x128xf32, #tpu.memory_space<hbm>> -> memref<1x32x128xf32, #tpu.memory_space<hbm>>
        %dma_start3A_350 = tpu.memref_squeeze %dma_start3A_349 : memref<1x32x128xf32, #tpu.memory_space<hbm>> -> memref<32x128xf32, #tpu.memory_space<hbm>>
        tpu.enqueue_dma source(%dma_start3A_350 : memref<32x128xf32, #tpu.memory_space<hbm>>) target(%arg6 : memref<32x128xf32, #tpu.memory_space<vmem>>) target_semaphore(%run_scoped3A : memref<!tpu.dma_semaphore, #tpu.memory_space<semaphore_mem>>)
        %dma_wait3A = arith.constant 0 : i32
        %dma_wait3A_351 = arith.constant 0 : i32
        %dma_wait3A_352 = tpu.memref_slice %arg2[%arg1, %dma_wait3A, %dma_wait3A_351] : memref<16x32x128xf32, #tpu.memory_space<hbm>> -> memref<1x32x128xf32, #tpu.memory_space<hbm>>
        %dma_wait3A_353 = tpu.memref_squeeze %dma_wait3A_352 : memref<1x32x128xf32, #tpu.memory_space<hbm>> -> memref<32x128xf32, #tpu.memory_space<hbm>>
        %dma_wait3A_354 = arith.constant 0 : i32
        %dma_wait3A_355 = arith.constant 0 : i32
        %dma_wait3A_356 = tpu.memref_slice %arg2[%arg1, %dma_wait3A_354, %dma_wait3A_355] : memref<16x32x128xf32, #tpu.memory_space<hbm>> -> memref<1x32x128xf32, #tpu.memory_space<hbm>>
        %dma_wait3A_357 = tpu.memref_squeeze %dma_wait3A_356 : memref<1x32x128xf32, #tpu.memory_space<hbm>> -> memref<32x128xf32, #tpu.memory_space<hbm>>
        tpu.wait_dma2 semaphore(%run_scoped3A : memref<!tpu.dma_semaphore, #tpu.memory_space<semaphore_mem>>) src(%dma_wait3A_357 : memref<32x128xf32, #tpu.memory_space<hbm>>) dst(%arg6 : memref<32x128xf32, #tpu.memory_space<vmem>>)
        tpu.yield
      }) : () -> ()
      "tpu.region"() ({
        %run_scoped3A = tpu.sem_alloc : memref<!tpu.dma_semaphore, #tpu.memory_space<semaphore_mem>>
        %dma_start3A = arith.constant 0 : i32
        %dma_start3A_344 = tpu.memref_slice %arg3[%arg1, %dma_start3A] : memref<16x9xi32, #tpu.memory_space<hbm>> -> memref<1x9xi32, #tpu.memory_space<hbm>>
        %dma_start3A_345 = tpu.memref_squeeze %dma_start3A_344 : memref<1x9xi32, #tpu.memory_space<hbm>> -> memref<9xi32, #tpu.memory_space<hbm>>
        %dma_start3A_346 = arith.constant 0 : i32
        %dma_start3A_347 = tpu.memref_slice %arg3[%arg1, %dma_start3A_346] : memref<16x9xi32, #tpu.memory_space<hbm>> -> memref<1x9xi32, #tpu.memory_space<hbm>>
        %dma_start3A_348 = tpu.memref_squeeze %dma_start3A_347 : memref<1x9xi32, #tpu.memory_space<hbm>> -> memref<9xi32, #tpu.memory_space<hbm>>
        tpu.enqueue_dma source(%dma_start3A_348 : memref<9xi32, #tpu.memory_space<hbm>>) target(%arg7 : memref<9xi32, #tpu.memory_space<vmem>>) target_semaphore(%run_scoped3A : memref<!tpu.dma_semaphore, #tpu.memory_space<semaphore_mem>>)
        %dma_wait3A = arith.constant 0 : i32
        %dma_wait3A_349 = tpu.memref_slice %arg3[%arg1, %dma_wait3A] : memref<16x9xi32, #tpu.memory_space<hbm>> -> memref<1x9xi32, #tpu.memory_space<hbm>>
        %dma_wait3A_350 = tpu.memref_squeeze %dma_wait3A_349 : memref<1x9xi32, #tpu.memory_space<hbm>> -> memref<9xi32, #tpu.memory_space<hbm>>
        %dma_wait3A_351 = arith.constant 0 : i32
        %dma_wait3A_352 = tpu.memref_slice %arg3[%arg1, %dma_wait3A_351] : memref<16x9xi32, #tpu.memory_space<hbm>> -> memref<1x9xi32, #tpu.memory_space<hbm>>
        %dma_wait3A_353 = tpu.memref_squeeze %dma_wait3A_352 : memref<1x9xi32, #tpu.memory_space<hbm>> -> memref<9xi32, #tpu.memory_space<hbm>>
        tpu.wait_dma2 semaphore(%run_scoped3A : memref<!tpu.dma_semaphore, #tpu.memory_space<semaphore_mem>>) src(%dma_wait3A_353 : memref<9xi32, #tpu.memory_space<hbm>>) dst(%arg7 : memref<9xi32, #tpu.memory_space<vmem>>)
        tpu.yield
      }) : () -> ()
      "tpu.region"() ({
        %run_scoped3A = tpu.sem_alloc : memref<!tpu.dma_semaphore, #tpu.memory_space<semaphore_mem>>
        %dma_start3A = arith.constant 0 : i32
        %dma_start3A_344 = arith.constant 0 : i32
        %dma_start3A_345 = tpu.memref_slice %arg4[%arg1, %dma_start3A, %dma_start3A_344] : memref<16x9x8xf32, #tpu.memory_space<hbm>> -> memref<1x9x8xf32, #tpu.memory_space<hbm>>
        %dma_start3A_346 = tpu.memref_squeeze %dma_start3A_345 : memref<1x9x8xf32, #tpu.memory_space<hbm>> -> memref<9x8xf32, #tpu.memory_space<hbm>>
        %dma_start3A_347 = arith.constant 0 : i32
        %dma_start3A_348 = arith.constant 0 : i32
        %dma_start3A_349 = tpu.memref_slice %arg4[%arg1, %dma_start3A_347, %dma_start3A_348] : memref<16x9x8xf32, #tpu.memory_space<hbm>> -> memref<1x9x8xf32, #tpu.memory_space<hbm>>
        %dma_start3A_350 = tpu.memref_squeeze %dma_start3A_349 : memref<1x9x8xf32, #tpu.memory_space<hbm>> -> memref<9x8xf32, #tpu.memory_space<hbm>>
        tpu.enqueue_dma source(%dma_start3A_350 : memref<9x8xf32, #tpu.memory_space<hbm>>) target(%arg8 : memref<9x8xf32, #tpu.memory_space<vmem>>) target_semaphore(%run_scoped3A : memref<!tpu.dma_semaphore, #tpu.memory_space<semaphore_mem>>)
        %dma_wait3A = arith.constant 0 : i32
        %dma_wait3A_351 = arith.constant 0 : i32
        %dma_wait3A_352 = tpu.memref_slice %arg4[%arg1, %dma_wait3A, %dma_wait3A_351] : memref<16x9x8xf32, #tpu.memory_space<hbm>> -> memref<1x9x8xf32, #tpu.memory_space<hbm>>
        %dma_wait3A_353 = tpu.memref_squeeze %dma_wait3A_352 : memref<1x9x8xf32, #tpu.memory_space<hbm>> -> memref<9x8xf32, #tpu.memory_space<hbm>>
        %dma_wait3A_354 = arith.constant 0 : i32
        %dma_wait3A_355 = arith.constant 0 : i32
        %dma_wait3A_356 = tpu.memref_slice %arg4[%arg1, %dma_wait3A_354, %dma_wait3A_355] : memref<16x9x8xf32, #tpu.memory_space<hbm>> -> memref<1x9x8xf32, #tpu.memory_space<hbm>>
        %dma_wait3A_357 = tpu.memref_squeeze %dma_wait3A_356 : memref<1x9x8xf32, #tpu.memory_space<hbm>> -> memref<9x8xf32, #tpu.memory_space<hbm>>
        tpu.wait_dma2 semaphore(%run_scoped3A : memref<!tpu.dma_semaphore, #tpu.memory_space<semaphore_mem>>) src(%dma_wait3A_357 : memref<9x8xf32, #tpu.memory_space<hbm>>) dst(%arg8 : memref<9x8xf32, #tpu.memory_space<vmem>>)
        tpu.yield
      }) : () -> ()
      %iota3A = tpu.iota {dimensions = array<i32: 0>} : vector<16xi32>
      %lt3A = arith.constant 8 : i32
      %lt3A_2 = vector.broadcast %lt3A : i32 to vector<16xi32>
      %lt3A_3 = arith.cmpi slt, %iota3A, %lt3A_2 : vector<16xi32>
      %jit3A = arith.constant 0 : i32
      %broadcast_in_dim3A = vector.broadcast %jit3A : i32 to vector<16xi32>
      %select_n3A = arith.select %lt3A_3, %iota3A, %broadcast_in_dim3A : vector<16xi1>, vector<16xi32>
      %gather3A = tpu.vector_load_idx %arg7[%select_n3A] masked %lt3A_3 : memref<9xi32, #tpu.memory_space<vmem>>[vector<16xi32>], vector<16xi32>, vector<16xi1>
      %add3A = arith.constant 1 : i32
      %add3A_4 = vector.broadcast %add3A : i32 to vector<16xi32>
      %add3A_5 = arith.addi %iota3A, %add3A_4 : vector<16xi32>
      %jit3A_6 = arith.constant 0 : i32
      %broadcast_in_dim3A_7 = vector.broadcast %jit3A_6 : i32 to vector<16xi32>
      %select_n3A_8 = arith.select %lt3A_3, %add3A_5, %broadcast_in_dim3A_7 : vector<16xi1>, vector<16xi32>
      %gather3A_9 = tpu.vector_load_idx %arg7[%select_n3A_8] masked %lt3A_3 : memref<9xi32, #tpu.memory_space<vmem>>[vector<16xi32>], vector<16xi32>, vector<16xi1>
      %broadcast_in_dim3A_10 = arith.constant 0 : i32
      %broadcast_in_dim3A_11 = vector.broadcast %broadcast_in_dim3A_10 : i32 to vector<16xi32>
      %jit3A_12 = arith.constant 0 : i32
      %broadcast_in_dim3A_13 = vector.broadcast %jit3A_12 : i32 to vector<16xi32>
      %select_n3A_14 = arith.select %lt3A_3, %gather3A, %broadcast_in_dim3A_13 : vector<16xi1>, vector<16xi32>
      %jit3A_15 = arith.constant 0 : i32
      %broadcast_in_dim3A_16 = vector.broadcast %jit3A_15 : i32 to vector<16xi32>
      %select_n3A_17 = arith.select %lt3A_3, %gather3A_9, %broadcast_in_dim3A_16 : vector<16xi1>, vector<16xi32>
      %shift_right_arithmetic3A = arith.constant 7 : i32
      %shift_right_arithmetic3A_18 = vector.broadcast %shift_right_arithmetic3A : i32 to vector<16xi32>
      %shift_right_arithmetic3A_19 = arith.shrsi %select_n3A_14, %shift_right_arithmetic3A_18 : vector<16xi32>
      %and3A = arith.constant 127 : i32
      %and3A_20 = vector.broadcast %and3A : i32 to vector<16xi32>
      %and3A_21 = arith.andi %select_n3A_14, %and3A_20 : vector<16xi32>
      %gather3A_22 = tpu.vector_load_idx %arg6[%shift_right_arithmetic3A_19, %and3A_21] masked %lt3A_3 : memref<32x128xf32, #tpu.memory_space<vmem>>[vector<16xi32>, vector<16xi32>], vector<16xf32>, vector<16xi1>
      %shift_right_arithmetic3A_23 = arith.constant 7 : i32
      %shift_right_arithmetic3A_24 = vector.broadcast %shift_right_arithmetic3A_23 : i32 to vector<16xi32>
      %shift_right_arithmetic3A_25 = arith.shrsi %select_n3A_17, %shift_right_arithmetic3A_24 : vector<16xi32>
      %and3A_26 = arith.constant 127 : i32
      %and3A_27 = vector.broadcast %and3A_26 : i32 to vector<16xi32>
      %and3A_28 = arith.andi %select_n3A_17, %and3A_27 : vector<16xi32>
      %gather3A_29 = tpu.vector_load_idx %arg6[%shift_right_arithmetic3A_25, %and3A_28] masked %lt3A_3 : memref<32x128xf32, #tpu.memory_space<vmem>>[vector<16xi32>, vector<16xi32>], vector<16xf32>, vector<16xi1>
      %sub3A = arith.subi %gather3A_9, %gather3A : vector<16xi32>
      %convert_element_type3A_30 = arith.sitofp %sub3A : vector<16xi32> to vector<16xf32>
      %sub3A_31 = arith.subf %gather3A_29, %gather3A_22 : vector<16xf32>
      %jit3A_32 = arith.constant 1.000000e+00 : f32
      %broadcast_in_dim3A_33 = vector.broadcast %jit3A_32 : f32 to vector<16xf32>
      %select_n3A_34 = arith.select %lt3A_3, %convert_element_type3A_30, %broadcast_in_dim3A_33 : vector<16xi1>, vector<16xf32>
      %div3A = arith.divf %sub3A_31, %select_n3A_34 : vector<16xf32>
      %gather3A_35 = tpu.vector_load_idx %arg8[%select_n3A, %broadcast_in_dim3A_11] masked %lt3A_3 : memref<9x8xf32, #tpu.memory_space<vmem>>[vector<16xi32>, vector<16xi32>], vector<16xf32>, vector<16xi1>
      %add3A_36 = arith.constant 1 : i32
      %add3A_37 = vector.broadcast %add3A_36 : i32 to vector<16xi32>
      %add3A_38 = arith.addi %broadcast_in_dim3A_11, %add3A_37 : vector<16xi32>
      %gather3A_39 = tpu.vector_load_idx %arg8[%select_n3A, %add3A_38] masked %lt3A_3 : memref<9x8xf32, #tpu.memory_space<vmem>>[vector<16xi32>, vector<16xi32>], vector<16xf32>, vector<16xi1>
      %gt3A = arith.cmpf ogt, %gather3A_39, %gather3A_35 : vector<16xf32>
      %jit3A_40 = arith.constant 1 : i32
      %broadcast_in_dim3A_41 = vector.broadcast %jit3A_40 : i32 to vector<16xi32>
      %select_n3A_42 = arith.select %gt3A, %broadcast_in_dim3A_41, %broadcast_in_dim3A_11 : vector<16xi1>, vector<16xi32>
      %select_n3A_43 = arith.select %gt3A, %gather3A_39, %gather3A_35 : vector<16xi1>, vector<16xf32>
      %add3A_44 = arith.constant 2 : i32
      %add3A_45 = vector.broadcast %add3A_44 : i32 to vector<16xi32>
      %add3A_46 = arith.addi %broadcast_in_dim3A_11, %add3A_45 : vector<16xi32>
      %gather3A_47 = tpu.vector_load_idx %arg8[%select_n3A, %add3A_46] masked %lt3A_3 : memref<9x8xf32, #tpu.memory_space<vmem>>[vector<16xi32>, vector<16xi32>], vector<16xf32>, vector<16xi1>
      %gt3A_48 = arith.cmpf ogt, %gather3A_47, %select_n3A_43 : vector<16xf32>
      %jit3A_49 = arith.constant 2 : i32
      %broadcast_in_dim3A_50 = vector.broadcast %jit3A_49 : i32 to vector<16xi32>
      %select_n3A_51 = arith.select %gt3A_48, %broadcast_in_dim3A_50, %select_n3A_42 : vector<16xi1>, vector<16xi32>
      %select_n3A_52 = arith.select %gt3A_48, %gather3A_47, %select_n3A_43 : vector<16xi1>, vector<16xf32>
      %add3A_53 = arith.constant 3 : i32
      %add3A_54 = vector.broadcast %add3A_53 : i32 to vector<16xi32>
      %add3A_55 = arith.addi %broadcast_in_dim3A_11, %add3A_54 : vector<16xi32>
      %gather3A_56 = tpu.vector_load_idx %arg8[%select_n3A, %add3A_55] masked %lt3A_3 : memref<9x8xf32, #tpu.memory_space<vmem>>[vector<16xi32>, vector<16xi32>], vector<16xf32>, vector<16xi1>
      %gt3A_57 = arith.cmpf ogt, %gather3A_56, %select_n3A_52 : vector<16xf32>
      %jit3A_58 = arith.constant 3 : i32
      %broadcast_in_dim3A_59 = vector.broadcast %jit3A_58 : i32 to vector<16xi32>
      %select_n3A_60 = arith.select %gt3A_57, %broadcast_in_dim3A_59, %select_n3A_51 : vector<16xi1>, vector<16xi32>
      %select_n3A_61 = arith.select %gt3A_57, %gather3A_56, %select_n3A_52 : vector<16xi1>, vector<16xf32>
      %add3A_62 = arith.constant 4 : i32
      %add3A_63 = vector.broadcast %add3A_62 : i32 to vector<16xi32>
      %add3A_64 = arith.addi %broadcast_in_dim3A_11, %add3A_63 : vector<16xi32>
      %gather3A_65 = tpu.vector_load_idx %arg8[%select_n3A, %add3A_64] masked %lt3A_3 : memref<9x8xf32, #tpu.memory_space<vmem>>[vector<16xi32>, vector<16xi32>], vector<16xf32>, vector<16xi1>
      %gt3A_66 = arith.cmpf ogt, %gather3A_65, %select_n3A_61 : vector<16xf32>
      %jit3A_67 = arith.constant 4 : i32
      %broadcast_in_dim3A_68 = vector.broadcast %jit3A_67 : i32 to vector<16xi32>
      %select_n3A_69 = arith.select %gt3A_66, %broadcast_in_dim3A_68, %select_n3A_60 : vector<16xi1>, vector<16xi32>
      %select_n3A_70 = arith.select %gt3A_66, %gather3A_65, %select_n3A_61 : vector<16xi1>, vector<16xf32>
      %add3A_71 = arith.constant 5 : i32
      %add3A_72 = vector.broadcast %add3A_71 : i32 to vector<16xi32>
      %add3A_73 = arith.addi %broadcast_in_dim3A_11, %add3A_72 : vector<16xi32>
      %gather3A_74 = tpu.vector_load_idx %arg8[%select_n3A, %add3A_73] masked %lt3A_3 : memref<9x8xf32, #tpu.memory_space<vmem>>[vector<16xi32>, vector<16xi32>], vector<16xf32>, vector<16xi1>
      %gt3A_75 = arith.cmpf ogt, %gather3A_74, %select_n3A_70 : vector<16xf32>
      %jit3A_76 = arith.constant 5 : i32
      %broadcast_in_dim3A_77 = vector.broadcast %jit3A_76 : i32 to vector<16xi32>
      %select_n3A_78 = arith.select %gt3A_75, %broadcast_in_dim3A_77, %select_n3A_69 : vector<16xi1>, vector<16xi32>
      %select_n3A_79 = arith.select %gt3A_75, %gather3A_74, %select_n3A_70 : vector<16xi1>, vector<16xf32>
      %add3A_80 = arith.constant 6 : i32
      %add3A_81 = vector.broadcast %add3A_80 : i32 to vector<16xi32>
      %add3A_82 = arith.addi %broadcast_in_dim3A_11, %add3A_81 : vector<16xi32>
      %gather3A_83 = tpu.vector_load_idx %arg8[%select_n3A, %add3A_82] masked %lt3A_3 : memref<9x8xf32, #tpu.memory_space<vmem>>[vector<16xi32>, vector<16xi32>], vector<16xf32>, vector<16xi1>
      %gt3A_84 = arith.cmpf ogt, %gather3A_83, %select_n3A_79 : vector<16xf32>
      %jit3A_85 = arith.constant 6 : i32
      %broadcast_in_dim3A_86 = vector.broadcast %jit3A_85 : i32 to vector<16xi32>
      %select_n3A_87 = arith.select %gt3A_84, %broadcast_in_dim3A_86, %select_n3A_78 : vector<16xi1>, vector<16xi32>
      %select_n3A_88 = arith.select %gt3A_84, %gather3A_83, %select_n3A_79 : vector<16xi1>, vector<16xf32>
      %add3A_89 = arith.constant 7 : i32
      %add3A_90 = vector.broadcast %add3A_89 : i32 to vector<16xi32>
      %add3A_91 = arith.addi %broadcast_in_dim3A_11, %add3A_90 : vector<16xi32>
      %gather3A_92 = tpu.vector_load_idx %arg8[%select_n3A, %add3A_91] masked %lt3A_3 : memref<9x8xf32, #tpu.memory_space<vmem>>[vector<16xi32>, vector<16xi32>], vector<16xf32>, vector<16xi1>
      %gt3A_93 = arith.cmpf ogt, %gather3A_92, %select_n3A_88 : vector<16xf32>
      %jit3A_94 = arith.constant 7 : i32
      %broadcast_in_dim3A_95 = vector.broadcast %jit3A_94 : i32 to vector<16xi32>
      %select_n3A_96 = arith.select %gt3A_93, %broadcast_in_dim3A_95, %select_n3A_87 : vector<16xi1>, vector<16xi32>
      %select_n3A_97 = arith.select %gt3A_93, %gather3A_92, %select_n3A_88 : vector<16xi1>, vector<16xf32>
      %broadcast_in_dim3A_98 = arith.constant 0.000000e+00 : f32
      %broadcast_in_dim3A_99 = vector.broadcast %broadcast_in_dim3A_98 : f32 to vector<16xf32>
      %broadcast_in_dim3A_100 = arith.constant 0.000000e+00 : f32
      %broadcast_in_dim3A_101 = vector.broadcast %broadcast_in_dim3A_100 : f32 to vector<16xf32>
      %eq3A_102 = arith.constant 0 : i32
      %eq3A_103 = vector.broadcast %eq3A_102 : i32 to vector<16xi32>
      %eq3A_104 = arith.cmpi eq, %select_n3A_96, %eq3A_103 : vector<16xi32>
      %and3A_105 = arith.andi %lt3A_3, %eq3A_104 : vector<16xi1>
      %jit3A_106 = arith.constant 0.000000e+00 : f32
      %broadcast_in_dim3A_107 = vector.broadcast %jit3A_106 : f32 to vector<16xf32>
      %select_n3A_108 = arith.select %and3A_105, %div3A, %broadcast_in_dim3A_107 : vector<16xi1>, vector<16xf32>
      %reduce_sum3A = arith.constant true
      %reduce_sum3A_109 = vector.broadcast %reduce_sum3A : i1 to vector<16xi1>
      %reduce_sum3A_110 = tpu.scan <sum>, %select_n3A_108 masked %reduce_sum3A_109 : vector<16xf32>, vector<16xi1> -> vector<16xf32>
      %reduce_sum3A_111 = vector.extract %reduce_sum3A_110[15] : f32 from vector<16xf32>
      %jit3A_112 = arith.constant 1.000000e+00 : f32
      %jit3A_113 = arith.constant 0.000000e+00 : f32
      %broadcast_in_dim3A_114 = vector.broadcast %jit3A_112 : f32 to vector<16xf32>
      %broadcast_in_dim3A_115 = vector.broadcast %jit3A_113 : f32 to vector<16xf32>
      %select_n3A_116 = arith.select %and3A_105, %broadcast_in_dim3A_114, %broadcast_in_dim3A_115 : vector<16xi1>, vector<16xf32>
      %reduce_sum3A_117 = arith.constant true
      %reduce_sum3A_118 = vector.broadcast %reduce_sum3A_117 : i1 to vector<16xi1>
      %reduce_sum3A_119 = tpu.scan <sum>, %select_n3A_116 masked %reduce_sum3A_118 : vector<16xf32>, vector<16xi1> -> vector<16xf32>
      %reduce_sum3A_120 = vector.extract %reduce_sum3A_119[15] : f32 from vector<16xf32>
      %eq3A_121 = arith.constant 0 : i32
      %eq3A_122 = vector.broadcast %eq3A_121 : i32 to vector<16xi32>
      %eq3A_123 = arith.cmpi eq, %iota3A, %eq3A_122 : vector<16xi32>
      %broadcast_in_dim3A_124 = vector.broadcast %reduce_sum3A_111 : f32 to vector<16xf32>
      %select_n3A_125 = arith.select %eq3A_123, %broadcast_in_dim3A_124, %broadcast_in_dim3A_99 : vector<16xi1>, vector<16xf32>
      %eq3A_126 = arith.constant 0 : i32
      %eq3A_127 = vector.broadcast %eq3A_126 : i32 to vector<16xi32>
      %eq3A_128 = arith.cmpi eq, %iota3A, %eq3A_127 : vector<16xi32>
      %broadcast_in_dim3A_129 = vector.broadcast %reduce_sum3A_120 : f32 to vector<16xf32>
      %select_n3A_130 = arith.select %eq3A_128, %broadcast_in_dim3A_129, %broadcast_in_dim3A_101 : vector<16xi1>, vector<16xf32>
      %eq3A_131 = arith.constant 1 : i32
      %eq3A_132 = vector.broadcast %eq3A_131 : i32 to vector<16xi32>
      %eq3A_133 = arith.cmpi eq, %select_n3A_96, %eq3A_132 : vector<16xi32>
      %and3A_134 = arith.andi %lt3A_3, %eq3A_133 : vector<16xi1>
      %jit3A_135 = arith.constant 0.000000e+00 : f32
      %broadcast_in_dim3A_136 = vector.broadcast %jit3A_135 : f32 to vector<16xf32>
      %select_n3A_137 = arith.select %and3A_134, %div3A, %broadcast_in_dim3A_136 : vector<16xi1>, vector<16xf32>
      %reduce_sum3A_138 = arith.constant true
      %reduce_sum3A_139 = vector.broadcast %reduce_sum3A_138 : i1 to vector<16xi1>
      %reduce_sum3A_140 = tpu.scan <sum>, %select_n3A_137 masked %reduce_sum3A_139 : vector<16xf32>, vector<16xi1> -> vector<16xf32>
      %reduce_sum3A_141 = vector.extract %reduce_sum3A_140[15] : f32 from vector<16xf32>
      %jit3A_142 = arith.constant 1.000000e+00 : f32
      %jit3A_143 = arith.constant 0.000000e+00 : f32
      %broadcast_in_dim3A_144 = vector.broadcast %jit3A_142 : f32 to vector<16xf32>
      %broadcast_in_dim3A_145 = vector.broadcast %jit3A_143 : f32 to vector<16xf32>
      %select_n3A_146 = arith.select %and3A_134, %broadcast_in_dim3A_144, %broadcast_in_dim3A_145 : vector<16xi1>, vector<16xf32>
      %reduce_sum3A_147 = arith.constant true
      %reduce_sum3A_148 = vector.broadcast %reduce_sum3A_147 : i1 to vector<16xi1>
      %reduce_sum3A_149 = tpu.scan <sum>, %select_n3A_146 masked %reduce_sum3A_148 : vector<16xf32>, vector<16xi1> -> vector<16xf32>
      %reduce_sum3A_150 = vector.extract %reduce_sum3A_149[15] : f32 from vector<16xf32>
      %eq3A_151 = arith.constant 1 : i32
      %eq3A_152 = vector.broadcast %eq3A_151 : i32 to vector<16xi32>
      %eq3A_153 = arith.cmpi eq, %iota3A, %eq3A_152 : vector<16xi32>
      %broadcast_in_dim3A_154 = vector.broadcast %reduce_sum3A_141 : f32 to vector<16xf32>
      %select_n3A_155 = arith.select %eq3A_153, %broadcast_in_dim3A_154, %select_n3A_125 : vector<16xi1>, vector<16xf32>
      %eq3A_156 = arith.constant 1 : i32
      %eq3A_157 = vector.broadcast %eq3A_156 : i32 to vector<16xi32>
      %eq3A_158 = arith.cmpi eq, %iota3A, %eq3A_157 : vector<16xi32>
      %broadcast_in_dim3A_159 = vector.broadcast %reduce_sum3A_150 : f32 to vector<16xf32>
      %select_n3A_160 = arith.select %eq3A_158, %broadcast_in_dim3A_159, %select_n3A_130 : vector<16xi1>, vector<16xf32>
      %eq3A_161 = arith.constant 2 : i32
      %eq3A_162 = vector.broadcast %eq3A_161 : i32 to vector<16xi32>
      %eq3A_163 = arith.cmpi eq, %select_n3A_96, %eq3A_162 : vector<16xi32>
      %and3A_164 = arith.andi %lt3A_3, %eq3A_163 : vector<16xi1>
      %jit3A_165 = arith.constant 0.000000e+00 : f32
      %broadcast_in_dim3A_166 = vector.broadcast %jit3A_165 : f32 to vector<16xf32>
      %select_n3A_167 = arith.select %and3A_164, %div3A, %broadcast_in_dim3A_166 : vector<16xi1>, vector<16xf32>
      %reduce_sum3A_168 = arith.constant true
      %reduce_sum3A_169 = vector.broadcast %reduce_sum3A_168 : i1 to vector<16xi1>
      %reduce_sum3A_170 = tpu.scan <sum>, %select_n3A_167 masked %reduce_sum3A_169 : vector<16xf32>, vector<16xi1> -> vector<16xf32>
      %reduce_sum3A_171 = vector.extract %reduce_sum3A_170[15] : f32 from vector<16xf32>
      %jit3A_172 = arith.constant 1.000000e+00 : f32
      %jit3A_173 = arith.constant 0.000000e+00 : f32
      %broadcast_in_dim3A_174 = vector.broadcast %jit3A_172 : f32 to vector<16xf32>
      %broadcast_in_dim3A_175 = vector.broadcast %jit3A_173 : f32 to vector<16xf32>
      %select_n3A_176 = arith.select %and3A_164, %broadcast_in_dim3A_174, %broadcast_in_dim3A_175 : vector<16xi1>, vector<16xf32>
      %reduce_sum3A_177 = arith.constant true
      %reduce_sum3A_178 = vector.broadcast %reduce_sum3A_177 : i1 to vector<16xi1>
      %reduce_sum3A_179 = tpu.scan <sum>, %select_n3A_176 masked %reduce_sum3A_178 : vector<16xf32>, vector<16xi1> -> vector<16xf32>
      %reduce_sum3A_180 = vector.extract %reduce_sum3A_179[15] : f32 from vector<16xf32>
      %eq3A_181 = arith.constant 2 : i32
      %eq3A_182 = vector.broadcast %eq3A_181 : i32 to vector<16xi32>
      %eq3A_183 = arith.cmpi eq, %iota3A, %eq3A_182 : vector<16xi32>
      %broadcast_in_dim3A_184 = vector.broadcast %reduce_sum3A_171 : f32 to vector<16xf32>
      %select_n3A_185 = arith.select %eq3A_183, %broadcast_in_dim3A_184, %select_n3A_155 : vector<16xi1>, vector<16xf32>
      %eq3A_186 = arith.constant 2 : i32
      %eq3A_187 = vector.broadcast %eq3A_186 : i32 to vector<16xi32>
      %eq3A_188 = arith.cmpi eq, %iota3A, %eq3A_187 : vector<16xi32>
      %broadcast_in_dim3A_189 = vector.broadcast %reduce_sum3A_180 : f32 to vector<16xf32>
      %select_n3A_190 = arith.select %eq3A_188, %broadcast_in_dim3A_189, %select_n3A_160 : vector<16xi1>, vector<16xf32>
      %eq3A_191 = arith.constant 3 : i32
      %eq3A_192 = vector.broadcast %eq3A_191 : i32 to vector<16xi32>
      %eq3A_193 = arith.cmpi eq, %select_n3A_96, %eq3A_192 : vector<16xi32>
      %and3A_194 = arith.andi %lt3A_3, %eq3A_193 : vector<16xi1>
      %jit3A_195 = arith.constant 0.000000e+00 : f32
      %broadcast_in_dim3A_196 = vector.broadcast %jit3A_195 : f32 to vector<16xf32>
      %select_n3A_197 = arith.select %and3A_194, %div3A, %broadcast_in_dim3A_196 : vector<16xi1>, vector<16xf32>
      %reduce_sum3A_198 = arith.constant true
      %reduce_sum3A_199 = vector.broadcast %reduce_sum3A_198 : i1 to vector<16xi1>
      %reduce_sum3A_200 = tpu.scan <sum>, %select_n3A_197 masked %reduce_sum3A_199 : vector<16xf32>, vector<16xi1> -> vector<16xf32>
      %reduce_sum3A_201 = vector.extract %reduce_sum3A_200[15] : f32 from vector<16xf32>
      %jit3A_202 = arith.constant 1.000000e+00 : f32
      %jit3A_203 = arith.constant 0.000000e+00 : f32
      %broadcast_in_dim3A_204 = vector.broadcast %jit3A_202 : f32 to vector<16xf32>
      %broadcast_in_dim3A_205 = vector.broadcast %jit3A_203 : f32 to vector<16xf32>
      %select_n3A_206 = arith.select %and3A_194, %broadcast_in_dim3A_204, %broadcast_in_dim3A_205 : vector<16xi1>, vector<16xf32>
      %reduce_sum3A_207 = arith.constant true
      %reduce_sum3A_208 = vector.broadcast %reduce_sum3A_207 : i1 to vector<16xi1>
      %reduce_sum3A_209 = tpu.scan <sum>, %select_n3A_206 masked %reduce_sum3A_208 : vector<16xf32>, vector<16xi1> -> vector<16xf32>
      %reduce_sum3A_210 = vector.extract %reduce_sum3A_209[15] : f32 from vector<16xf32>
      %eq3A_211 = arith.constant 3 : i32
      %eq3A_212 = vector.broadcast %eq3A_211 : i32 to vector<16xi32>
      %eq3A_213 = arith.cmpi eq, %iota3A, %eq3A_212 : vector<16xi32>
      %broadcast_in_dim3A_214 = vector.broadcast %reduce_sum3A_201 : f32 to vector<16xf32>
      %select_n3A_215 = arith.select %eq3A_213, %broadcast_in_dim3A_214, %select_n3A_185 : vector<16xi1>, vector<16xf32>
      %eq3A_216 = arith.constant 3 : i32
      %eq3A_217 = vector.broadcast %eq3A_216 : i32 to vector<16xi32>
      %eq3A_218 = arith.cmpi eq, %iota3A, %eq3A_217 : vector<16xi32>
      %broadcast_in_dim3A_219 = vector.broadcast %reduce_sum3A_210 : f32 to vector<16xf32>
      %select_n3A_220 = arith.select %eq3A_218, %broadcast_in_dim3A_219, %select_n3A_190 : vector<16xi1>, vector<16xf32>
      %eq3A_221 = arith.constant 4 : i32
      %eq3A_222 = vector.broadcast %eq3A_221 : i32 to vector<16xi32>
      %eq3A_223 = arith.cmpi eq, %select_n3A_96, %eq3A_222 : vector<16xi32>
      %and3A_224 = arith.andi %lt3A_3, %eq3A_223 : vector<16xi1>
      %jit3A_225 = arith.constant 0.000000e+00 : f32
      %broadcast_in_dim3A_226 = vector.broadcast %jit3A_225 : f32 to vector<16xf32>
      %select_n3A_227 = arith.select %and3A_224, %div3A, %broadcast_in_dim3A_226 : vector<16xi1>, vector<16xf32>
      %reduce_sum3A_228 = arith.constant true
      %reduce_sum3A_229 = vector.broadcast %reduce_sum3A_228 : i1 to vector<16xi1>
      %reduce_sum3A_230 = tpu.scan <sum>, %select_n3A_227 masked %reduce_sum3A_229 : vector<16xf32>, vector<16xi1> -> vector<16xf32>
      %reduce_sum3A_231 = vector.extract %reduce_sum3A_230[15] : f32 from vector<16xf32>
      %jit3A_232 = arith.constant 1.000000e+00 : f32
      %jit3A_233 = arith.constant 0.000000e+00 : f32
      %broadcast_in_dim3A_234 = vector.broadcast %jit3A_232 : f32 to vector<16xf32>
      %broadcast_in_dim3A_235 = vector.broadcast %jit3A_233 : f32 to vector<16xf32>
      %select_n3A_236 = arith.select %and3A_224, %broadcast_in_dim3A_234, %broadcast_in_dim3A_235 : vector<16xi1>, vector<16xf32>
      %reduce_sum3A_237 = arith.constant true
      %reduce_sum3A_238 = vector.broadcast %reduce_sum3A_237 : i1 to vector<16xi1>
      %reduce_sum3A_239 = tpu.scan <sum>, %select_n3A_236 masked %reduce_sum3A_238 : vector<16xf32>, vector<16xi1> -> vector<16xf32>
      %reduce_sum3A_240 = vector.extract %reduce_sum3A_239[15] : f32 from vector<16xf32>
      %eq3A_241 = arith.constant 4 : i32
      %eq3A_242 = vector.broadcast %eq3A_241 : i32 to vector<16xi32>
      %eq3A_243 = arith.cmpi eq, %iota3A, %eq3A_242 : vector<16xi32>
      %broadcast_in_dim3A_244 = vector.broadcast %reduce_sum3A_231 : f32 to vector<16xf32>
      %select_n3A_245 = arith.select %eq3A_243, %broadcast_in_dim3A_244, %select_n3A_215 : vector<16xi1>, vector<16xf32>
      %eq3A_246 = arith.constant 4 : i32
      %eq3A_247 = vector.broadcast %eq3A_246 : i32 to vector<16xi32>
      %eq3A_248 = arith.cmpi eq, %iota3A, %eq3A_247 : vector<16xi32>
      %broadcast_in_dim3A_249 = vector.broadcast %reduce_sum3A_240 : f32 to vector<16xf32>
      %select_n3A_250 = arith.select %eq3A_248, %broadcast_in_dim3A_249, %select_n3A_220 : vector<16xi1>, vector<16xf32>
      %eq3A_251 = arith.constant 5 : i32
      %eq3A_252 = vector.broadcast %eq3A_251 : i32 to vector<16xi32>
      %eq3A_253 = arith.cmpi eq, %select_n3A_96, %eq3A_252 : vector<16xi32>
      %and3A_254 = arith.andi %lt3A_3, %eq3A_253 : vector<16xi1>
      %jit3A_255 = arith.constant 0.000000e+00 : f32
      %broadcast_in_dim3A_256 = vector.broadcast %jit3A_255 : f32 to vector<16xf32>
      %select_n3A_257 = arith.select %and3A_254, %div3A, %broadcast_in_dim3A_256 : vector<16xi1>, vector<16xf32>
      %reduce_sum3A_258 = arith.constant true
      %reduce_sum3A_259 = vector.broadcast %reduce_sum3A_258 : i1 to vector<16xi1>
      %reduce_sum3A_260 = tpu.scan <sum>, %select_n3A_257 masked %reduce_sum3A_259 : vector<16xf32>, vector<16xi1> -> vector<16xf32>
      %reduce_sum3A_261 = vector.extract %reduce_sum3A_260[15] : f32 from vector<16xf32>
      %jit3A_262 = arith.constant 1.000000e+00 : f32
      %jit3A_263 = arith.constant 0.000000e+00 : f32
      %broadcast_in_dim3A_264 = vector.broadcast %jit3A_262 : f32 to vector<16xf32>
      %broadcast_in_dim3A_265 = vector.broadcast %jit3A_263 : f32 to vector<16xf32>
      %select_n3A_266 = arith.select %and3A_254, %broadcast_in_dim3A_264, %broadcast_in_dim3A_265 : vector<16xi1>, vector<16xf32>
      %reduce_sum3A_267 = arith.constant true
      %reduce_sum3A_268 = vector.broadcast %reduce_sum3A_267 : i1 to vector<16xi1>
      %reduce_sum3A_269 = tpu.scan <sum>, %select_n3A_266 masked %reduce_sum3A_268 : vector<16xf32>, vector<16xi1> -> vector<16xf32>
      %reduce_sum3A_270 = vector.extract %reduce_sum3A_269[15] : f32 from vector<16xf32>
      %eq3A_271 = arith.constant 5 : i32
      %eq3A_272 = vector.broadcast %eq3A_271 : i32 to vector<16xi32>
      %eq3A_273 = arith.cmpi eq, %iota3A, %eq3A_272 : vector<16xi32>
      %broadcast_in_dim3A_274 = vector.broadcast %reduce_sum3A_261 : f32 to vector<16xf32>
      %select_n3A_275 = arith.select %eq3A_273, %broadcast_in_dim3A_274, %select_n3A_245 : vector<16xi1>, vector<16xf32>
      %eq3A_276 = arith.constant 5 : i32
      %eq3A_277 = vector.broadcast %eq3A_276 : i32 to vector<16xi32>
      %eq3A_278 = arith.cmpi eq, %iota3A, %eq3A_277 : vector<16xi32>
      %broadcast_in_dim3A_279 = vector.broadcast %reduce_sum3A_270 : f32 to vector<16xf32>
      %select_n3A_280 = arith.select %eq3A_278, %broadcast_in_dim3A_279, %select_n3A_250 : vector<16xi1>, vector<16xf32>
      %eq3A_281 = arith.constant 6 : i32
      %eq3A_282 = vector.broadcast %eq3A_281 : i32 to vector<16xi32>
      %eq3A_283 = arith.cmpi eq, %select_n3A_96, %eq3A_282 : vector<16xi32>
      %and3A_284 = arith.andi %lt3A_3, %eq3A_283 : vector<16xi1>
      %jit3A_285 = arith.constant 0.000000e+00 : f32
      %broadcast_in_dim3A_286 = vector.broadcast %jit3A_285 : f32 to vector<16xf32>
      %select_n3A_287 = arith.select %and3A_284, %div3A, %broadcast_in_dim3A_286 : vector<16xi1>, vector<16xf32>
      %reduce_sum3A_288 = arith.constant true
      %reduce_sum3A_289 = vector.broadcast %reduce_sum3A_288 : i1 to vector<16xi1>
      %reduce_sum3A_290 = tpu.scan <sum>, %select_n3A_287 masked %reduce_sum3A_289 : vector<16xf32>, vector<16xi1> -> vector<16xf32>
      %reduce_sum3A_291 = vector.extract %reduce_sum3A_290[15] : f32 from vector<16xf32>
      %jit3A_292 = arith.constant 1.000000e+00 : f32
      %jit3A_293 = arith.constant 0.000000e+00 : f32
      %broadcast_in_dim3A_294 = vector.broadcast %jit3A_292 : f32 to vector<16xf32>
      %broadcast_in_dim3A_295 = vector.broadcast %jit3A_293 : f32 to vector<16xf32>
      %select_n3A_296 = arith.select %and3A_284, %broadcast_in_dim3A_294, %broadcast_in_dim3A_295 : vector<16xi1>, vector<16xf32>
      %reduce_sum3A_297 = arith.constant true
      %reduce_sum3A_298 = vector.broadcast %reduce_sum3A_297 : i1 to vector<16xi1>
      %reduce_sum3A_299 = tpu.scan <sum>, %select_n3A_296 masked %reduce_sum3A_298 : vector<16xf32>, vector<16xi1> -> vector<16xf32>
      %reduce_sum3A_300 = vector.extract %reduce_sum3A_299[15] : f32 from vector<16xf32>
      %eq3A_301 = arith.constant 6 : i32
      %eq3A_302 = vector.broadcast %eq3A_301 : i32 to vector<16xi32>
      %eq3A_303 = arith.cmpi eq, %iota3A, %eq3A_302 : vector<16xi32>
      %broadcast_in_dim3A_304 = vector.broadcast %reduce_sum3A_291 : f32 to vector<16xf32>
      %select_n3A_305 = arith.select %eq3A_303, %broadcast_in_dim3A_304, %select_n3A_275 : vector<16xi1>, vector<16xf32>
      %eq3A_306 = arith.constant 6 : i32
      %eq3A_307 = vector.broadcast %eq3A_306 : i32 to vector<16xi32>
      %eq3A_308 = arith.cmpi eq, %iota3A, %eq3A_307 : vector<16xi32>
      %broadcast_in_dim3A_309 = vector.broadcast %reduce_sum3A_300 : f32 to vector<16xf32>
      %select_n3A_310 = arith.select %eq3A_308, %broadcast_in_dim3A_309, %select_n3A_280 : vector<16xi1>, vector<16xf32>
      %eq3A_311 = arith.constant 7 : i32
      %eq3A_312 = vector.broadcast %eq3A_311 : i32 to vector<16xi32>
      %eq3A_313 = arith.cmpi eq, %select_n3A_96, %eq3A_312 : vector<16xi32>
      %and3A_314 = arith.andi %lt3A_3, %eq3A_313 : vector<16xi1>
      %jit3A_315 = arith.constant 0.000000e+00 : f32
      %broadcast_in_dim3A_316 = vector.broadcast %jit3A_315 : f32 to vector<16xf32>
      %select_n3A_317 = arith.select %and3A_314, %div3A, %broadcast_in_dim3A_316 : vector<16xi1>, vector<16xf32>
      %reduce_sum3A_318 = arith.constant true
      %reduce_sum3A_319 = vector.broadcast %reduce_sum3A_318 : i1 to vector<16xi1>
      %reduce_sum3A_320 = tpu.scan <sum>, %select_n3A_317 masked %reduce_sum3A_319 : vector<16xf32>, vector<16xi1> -> vector<16xf32>
      %reduce_sum3A_321 = vector.extract %reduce_sum3A_320[15] : f32 from vector<16xf32>
      %jit3A_322 = arith.constant 1.000000e+00 : f32
      %jit3A_323 = arith.constant 0.000000e+00 : f32
      %broadcast_in_dim3A_324 = vector.broadcast %jit3A_322 : f32 to vector<16xf32>
      %broadcast_in_dim3A_325 = vector.broadcast %jit3A_323 : f32 to vector<16xf32>
      %select_n3A_326 = arith.select %and3A_314, %broadcast_in_dim3A_324, %broadcast_in_dim3A_325 : vector<16xi1>, vector<16xf32>
      %reduce_sum3A_327 = arith.constant true
      %reduce_sum3A_328 = vector.broadcast %reduce_sum3A_327 : i1 to vector<16xi1>
      %reduce_sum3A_329 = tpu.scan <sum>, %select_n3A_326 masked %reduce_sum3A_328 : vector<16xf32>, vector<16xi1> -> vector<16xf32>
      %reduce_sum3A_330 = vector.extract %reduce_sum3A_329[15] : f32 from vector<16xf32>
      %eq3A_331 = arith.constant 7 : i32
      %eq3A_332 = vector.broadcast %eq3A_331 : i32 to vector<16xi32>
      %eq3A_333 = arith.cmpi eq, %iota3A, %eq3A_332 : vector<16xi32>
      %broadcast_in_dim3A_334 = vector.broadcast %reduce_sum3A_321 : f32 to vector<16xf32>
      %select_n3A_335 = arith.select %eq3A_333, %broadcast_in_dim3A_334, %select_n3A_305 : vector<16xi1>, vector<16xf32>
      %eq3A_336 = arith.constant 7 : i32
      %eq3A_337 = vector.broadcast %eq3A_336 : i32 to vector<16xi32>
      %eq3A_338 = arith.cmpi eq, %iota3A, %eq3A_337 : vector<16xi32>
      %broadcast_in_dim3A_339 = vector.broadcast %reduce_sum3A_330 : f32 to vector<16xf32>
      %select_n3A_340 = arith.select %eq3A_338, %broadcast_in_dim3A_339, %select_n3A_310 : vector<16xi1>, vector<16xf32>
      %swap3A = arith.constant 0 : index
      %swap3A_341 = tpu.vector_load %arg9[%swap3A] {strides = array<i32>} : memref<32xf32, #tpu.memory_space<vmem>>, vector<16xf32>,
      tpu.vector_store %arg9[%swap3A], %select_n3A_335 {strides = array<i32>} : memref<32xf32, #tpu.memory_space<vmem>>, vector<16xf32>,
      %swap3A_342 = arith.constant 16 : index
      %swap3A_343 = tpu.vector_load %arg9[%swap3A_342] {strides = array<i32>} : memref<32xf32, #tpu.memory_space<vmem>>, vector<16xf32>,
      tpu.vector_store %arg9[%swap3A_342], %select_n3A_340 {strides = array<i32>} : memref<32xf32, #tpu.memory_space<vmem>>, vector<16xf32>,
      "tpu.region"() ({
        %run_scoped3A = tpu.sem_alloc : memref<!tpu.dma_semaphore, #tpu.memory_space<semaphore_mem>>
        %dma_start3A = arith.constant 0 : i32
        %dma_start3A_344 = tpu.memref_slice %arg5[%arg1, %dma_start3A] : memref<16x32xf32, #tpu.memory_space<hbm>> -> memref<1x32xf32, #tpu.memory_space<hbm>>
        %dma_start3A_345 = tpu.memref_squeeze %dma_start3A_344 : memref<1x32xf32, #tpu.memory_space<hbm>> -> memref<32xf32, #tpu.memory_space<hbm>>
        %dma_start3A_346 = arith.constant 0 : i32
        %dma_start3A_347 = tpu.memref_slice %arg5[%arg1, %dma_start3A_346] : memref<16x32xf32, #tpu.memory_space<hbm>> -> memref<1x32xf32, #tpu.memory_space<hbm>>
        %dma_start3A_348 = tpu.memref_squeeze %dma_start3A_347 : memref<1x32xf32, #tpu.memory_space<hbm>> -> memref<32xf32, #tpu.memory_space<hbm>>
        tpu.enqueue_dma source(%arg9 : memref<32xf32, #tpu.memory_space<vmem>>) target(%dma_start3A_348 : memref<32xf32, #tpu.memory_space<hbm>>) target_semaphore(%run_scoped3A : memref<!tpu.dma_semaphore, #tpu.memory_space<semaphore_mem>>)
        %dma_wait3A = arith.constant 0 : i32
        %dma_wait3A_349 = tpu.memref_slice %arg5[%arg1, %dma_wait3A] : memref<16x32xf32, #tpu.memory_space<hbm>> -> memref<1x32xf32, #tpu.memory_space<hbm>>
        %dma_wait3A_350 = tpu.memref_squeeze %dma_wait3A_349 : memref<1x32xf32, #tpu.memory_space<hbm>> -> memref<32xf32, #tpu.memory_space<hbm>>
        %dma_wait3A_351 = arith.constant 0 : i32
        %dma_wait3A_352 = tpu.memref_slice %arg5[%arg1, %dma_wait3A_351] : memref<16x32xf32, #tpu.memory_space<hbm>> -> memref<1x32xf32, #tpu.memory_space<hbm>>
        %dma_wait3A_353 = tpu.memref_squeeze %dma_wait3A_352 : memref<1x32xf32, #tpu.memory_space<hbm>> -> memref<32xf32, #tpu.memory_space<hbm>>
        tpu.wait_dma2 semaphore(%run_scoped3A : memref<!tpu.dma_semaphore, #tpu.memory_space<semaphore_mem>>) src(%arg9 : memref<32xf32, #tpu.memory_space<vmem>>) dst(%dma_wait3A_353 : memref<32xf32, #tpu.memory_space<hbm>>)
        tpu.yield
      }) : () -> ()
    } else {
    }
    return
  }
}

module attributes {stable_mosaic.version = 14 : i64} {
  func.func @_tc_err_prefix(%arg0: memref<16x3x4096xf32, #tpu.memory_space<vmem>>, %arg1: memref<16x3x4096xf32, #tpu.memory_space<vmem>>, %arg2: memref<16x32x128xf32, #tpu.memory_space<vmem>>) attributes {dimension_semantics = [], scalar_prefetch = 0 : i64, scratch_operands = 0 : i64, tpu.core_type = #tpu.core_type<tc>} {
    %broadcast_in_dim3A = arith.constant 1.000000e+00 : f32
    %broadcast_in_dim3A_0 = vector.broadcast %broadcast_in_dim3A : f32 to vector<1x3xf32>
    %iota3A = tpu.iota {dimensions = array<i32: 0>} : vector<128x128xi32>
    %iota3A_1 = tpu.iota {dimensions = array<i32: 1>} : vector<128x128xi32>
    %lt3A = arith.cmpi slt, %iota3A, %iota3A_1 : vector<128x128xi32>
    %convert_element_type3A = arith.extui %lt3A : vector<128x128xi1> to vector<128x128xi32>
    %convert_element_type3A_2 = arith.sitofp %convert_element_type3A : vector<128x128xi32> to vector<128x128xf32>
    %iota3A_3 = tpu.iota {dimensions = array<i32: 0>} : vector<32x32xi32>
    %iota3A_4 = tpu.iota {dimensions = array<i32: 1>} : vector<32x32xi32>
    %lt3A_5 = arith.cmpi slt, %iota3A_4, %iota3A_3 : vector<32x32xi32>
    %convert_element_type3A_6 = arith.extui %lt3A_5 : vector<32x32xi1> to vector<32x32xi32>
    %convert_element_type3A_7 = arith.sitofp %convert_element_type3A_6 : vector<32x32xi32> to vector<32x32xf32>
    %get3A = arith.constant 0 : index
    %get3A_8 = arith.constant 0 : index
    %get3A_9 = arith.constant 0 : index
    %get3A_10 = vector.load %arg0[%get3A, %get3A_8, %get3A_9] : memref<16x3x4096xf32, #tpu.memory_space<vmem>>, vector<1x3x4096xf32>
    %get3A_11 = vector.shape_cast %get3A_10 : vector<1x3x4096xf32> to vector<3x4096xf32>
    %get3A_12 = arith.constant 0 : index
    %get3A_13 = arith.constant 0 : index
    %get3A_14 = arith.constant 0 : index
    %get3A_15 = vector.load %arg1[%get3A_12, %get3A_13, %get3A_14] : memref<16x3x4096xf32, #tpu.memory_space<vmem>>, vector<1x3x4096xf32>
    %get3A_16 = vector.shape_cast %get3A_15 : vector<1x3x4096xf32> to vector<3x4096xf32>
    %sub3A = arith.subf %get3A_11, %get3A_16 : vector<3x4096xf32>
    %mul3A = arith.mulf %sub3A, %sub3A : vector<3x4096xf32>
    %dot_general3A = arith.constant dense<0.000000e+00> : vector<1x4096xf32>
    %dot_general3A_17 = tpu.matmul %broadcast_in_dim3A_0, %mul3A, %dot_general3A {dimension_numbers = #tpu.dot_dimension_numbers<[1], [0], [0], [1], [0, 0, 1, 1], [], []>, transpose_lhs_hint = false} : vector<1x3xf32>, vector<3x4096xf32>, vector<1x4096xf32> -> vector<1x4096xf32>
    %sqrt3A = math.sqrt %dot_general3A_17 : vector<1x4096xf32>
    %reshape3A = vector.shape_cast %sqrt3A : vector<1x4096xf32> to vector<32x128xf32>
    %dot_general3A_18 = arith.constant dense<0.000000e+00> : vector<32x128xf32>
    %dot_general3A_19 = tpu.matmul %reshape3A, %convert_element_type3A_2, %dot_general3A_18 {dimension_numbers = #tpu.dot_dimension_numbers<[1], [0], [0], [1], [0, 0, 1, 1], [], []>, transpose_lhs_hint = false} : vector<32x128xf32>, vector<128x128xf32>, vector<32x128xf32> -> vector<32x128xf32>
    %reduce_sum3A = arith.constant dense<0.000000e+00> : vector<32xf32>
    %reduce_sum3A_20 = vector.multi_reduction <add>, %reshape3A, %reduce_sum3A [1] : vector<32x128xf32> to vector<32xf32>
    %broadcast_in_dim3A_21 = vector.shape_cast %reduce_sum3A_20 : vector<32xf32> to vector<32x1xf32>
    %dot_general3A_22 = arith.constant dense<0.000000e+00> : vector<32x1xf32>
    %dot_general3A_23 = tpu.matmul %convert_element_type3A_7, %broadcast_in_dim3A_21, %dot_general3A_22 {dimension_numbers = #tpu.dot_dimension_numbers<[1], [0], [0], [1], [0, 0, 1, 1], [], []>, transpose_lhs_hint = false} : vector<32x32xf32>, vector<32x1xf32>, vector<32x1xf32> -> vector<32x1xf32>
    %add3A = vector.broadcast %dot_general3A_23 : vector<32x1xf32> to vector<32x128xf32>
    %add3A_24 = arith.addf %dot_general3A_19, %add3A : vector<32x128xf32>
    %swap3A = arith.constant 0 : index
    %swap3A_25 = arith.constant 0 : index
    %swap3A_26 = arith.constant 0 : index
    %swap3A_27 = vector.load %arg2[%swap3A, %swap3A_25, %swap3A_26] : memref<16x32x128xf32, #tpu.memory_space<vmem>>, vector<1x32x128xf32>
    %swap3A_28 = vector.shape_cast %swap3A_27 : vector<1x32x128xf32> to vector<32x128xf32>
    %swap3A_29 = vector.shape_cast %add3A_24 : vector<32x128xf32> to vector<1x32x128xf32>
    tpu.vector_store %arg2[%swap3A, %swap3A_25, %swap3A_26], %swap3A_29 {strides = array<i32>} : memref<16x32x128xf32, #tpu.memory_space<vmem>>, vector<1x32x128xf32>,
    %get3A_30 = arith.constant 1 : index
    %get3A_31 = arith.constant 0 : index
    %get3A_32 = arith.constant 0 : index
    %get3A_33 = vector.load %arg0[%get3A_30, %get3A_31, %get3A_32] : memref<16x3x4096xf32, #tpu.memory_space<vmem>>, vector<1x3x4096xf32>
    %get3A_34 = vector.shape_cast %get3A_33 : vector<1x3x4096xf32> to vector<3x4096xf32>
    %get3A_35 = arith.constant 1 : index
    %get3A_36 = arith.constant 0 : index
    %get3A_37 = arith.constant 0 : index
    %get3A_38 = vector.load %arg1[%get3A_35, %get3A_36, %get3A_37] : memref<16x3x4096xf32, #tpu.memory_space<vmem>>, vector<1x3x4096xf32>
    %get3A_39 = vector.shape_cast %get3A_38 : vector<1x3x4096xf32> to vector<3x4096xf32>
    %sub3A_40 = arith.subf %get3A_34, %get3A_39 : vector<3x4096xf32>
    %mul3A_41 = arith.mulf %sub3A_40, %sub3A_40 : vector<3x4096xf32>
    %dot_general3A_42 = arith.constant dense<0.000000e+00> : vector<1x4096xf32>
    %dot_general3A_43 = tpu.matmul %broadcast_in_dim3A_0, %mul3A_41, %dot_general3A_42 {dimension_numbers = #tpu.dot_dimension_numbers<[1], [0], [0], [1], [0, 0, 1, 1], [], []>, transpose_lhs_hint = false} : vector<1x3xf32>, vector<3x4096xf32>, vector<1x4096xf32> -> vector<1x4096xf32>
    %sqrt3A_44 = math.sqrt %dot_general3A_43 : vector<1x4096xf32>
    %reshape3A_45 = vector.shape_cast %sqrt3A_44 : vector<1x4096xf32> to vector<32x128xf32>
    %dot_general3A_46 = arith.constant dense<0.000000e+00> : vector<32x128xf32>
    %dot_general3A_47 = tpu.matmul %reshape3A_45, %convert_element_type3A_2, %dot_general3A_46 {dimension_numbers = #tpu.dot_dimension_numbers<[1], [0], [0], [1], [0, 0, 1, 1], [], []>, transpose_lhs_hint = false} : vector<32x128xf32>, vector<128x128xf32>, vector<32x128xf32> -> vector<32x128xf32>
    %reduce_sum3A_48 = arith.constant dense<0.000000e+00> : vector<32xf32>
    %reduce_sum3A_49 = vector.multi_reduction <add>, %reshape3A_45, %reduce_sum3A_48 [1] : vector<32x128xf32> to vector<32xf32>
    %broadcast_in_dim3A_50 = vector.shape_cast %reduce_sum3A_49 : vector<32xf32> to vector<32x1xf32>
    %dot_general3A_51 = arith.constant dense<0.000000e+00> : vector<32x1xf32>
    %dot_general3A_52 = tpu.matmul %convert_element_type3A_7, %broadcast_in_dim3A_50, %dot_general3A_51 {dimension_numbers = #tpu.dot_dimension_numbers<[1], [0], [0], [1], [0, 0, 1, 1], [], []>, transpose_lhs_hint = false} : vector<32x32xf32>, vector<32x1xf32>, vector<32x1xf32> -> vector<32x1xf32>
    %add3A_53 = vector.broadcast %dot_general3A_52 : vector<32x1xf32> to vector<32x128xf32>
    %add3A_54 = arith.addf %dot_general3A_47, %add3A_53 : vector<32x128xf32>
    %swap3A_55 = arith.constant 1 : index
    %swap3A_56 = arith.constant 0 : index
    %swap3A_57 = arith.constant 0 : index
    %swap3A_58 = vector.load %arg2[%swap3A_55, %swap3A_56, %swap3A_57] : memref<16x32x128xf32, #tpu.memory_space<vmem>>, vector<1x32x128xf32>
    %swap3A_59 = vector.shape_cast %swap3A_58 : vector<1x32x128xf32> to vector<32x128xf32>
    %swap3A_60 = vector.shape_cast %add3A_54 : vector<32x128xf32> to vector<1x32x128xf32>
    tpu.vector_store %arg2[%swap3A_55, %swap3A_56, %swap3A_57], %swap3A_60 {strides = array<i32>} : memref<16x32x128xf32, #tpu.memory_space<vmem>>, vector<1x32x128xf32>,
    %get3A_61 = arith.constant 2 : index
    %get3A_62 = arith.constant 0 : index
    %get3A_63 = arith.constant 0 : index
    %get3A_64 = vector.load %arg0[%get3A_61, %get3A_62, %get3A_63] : memref<16x3x4096xf32, #tpu.memory_space<vmem>>, vector<1x3x4096xf32>
    %get3A_65 = vector.shape_cast %get3A_64 : vector<1x3x4096xf32> to vector<3x4096xf32>
    %get3A_66 = arith.constant 2 : index
    %get3A_67 = arith.constant 0 : index
    %get3A_68 = arith.constant 0 : index
    %get3A_69 = vector.load %arg1[%get3A_66, %get3A_67, %get3A_68] : memref<16x3x4096xf32, #tpu.memory_space<vmem>>, vector<1x3x4096xf32>
    %get3A_70 = vector.shape_cast %get3A_69 : vector<1x3x4096xf32> to vector<3x4096xf32>
    %sub3A_71 = arith.subf %get3A_65, %get3A_70 : vector<3x4096xf32>
    %mul3A_72 = arith.mulf %sub3A_71, %sub3A_71 : vector<3x4096xf32>
    %dot_general3A_73 = arith.constant dense<0.000000e+00> : vector<1x4096xf32>
    %dot_general3A_74 = tpu.matmul %broadcast_in_dim3A_0, %mul3A_72, %dot_general3A_73 {dimension_numbers = #tpu.dot_dimension_numbers<[1], [0], [0], [1], [0, 0, 1, 1], [], []>, transpose_lhs_hint = false} : vector<1x3xf32>, vector<3x4096xf32>, vector<1x4096xf32> -> vector<1x4096xf32>
    %sqrt3A_75 = math.sqrt %dot_general3A_74 : vector<1x4096xf32>
    %reshape3A_76 = vector.shape_cast %sqrt3A_75 : vector<1x4096xf32> to vector<32x128xf32>
    %dot_general3A_77 = arith.constant dense<0.000000e+00> : vector<32x128xf32>
    %dot_general3A_78 = tpu.matmul %reshape3A_76, %convert_element_type3A_2, %dot_general3A_77 {dimension_numbers = #tpu.dot_dimension_numbers<[1], [0], [0], [1], [0, 0, 1, 1], [], []>, transpose_lhs_hint = false} : vector<32x128xf32>, vector<128x128xf32>, vector<32x128xf32> -> vector<32x128xf32>
    %reduce_sum3A_79 = arith.constant dense<0.000000e+00> : vector<32xf32>
    %reduce_sum3A_80 = vector.multi_reduction <add>, %reshape3A_76, %reduce_sum3A_79 [1] : vector<32x128xf32> to vector<32xf32>
    %broadcast_in_dim3A_81 = vector.shape_cast %reduce_sum3A_80 : vector<32xf32> to vector<32x1xf32>
    %dot_general3A_82 = arith.constant dense<0.000000e+00> : vector<32x1xf32>
    %dot_general3A_83 = tpu.matmul %convert_element_type3A_7, %broadcast_in_dim3A_81, %dot_general3A_82 {dimension_numbers = #tpu.dot_dimension_numbers<[1], [0], [0], [1], [0, 0, 1, 1], [], []>, transpose_lhs_hint = false} : vector<32x32xf32>, vector<32x1xf32>, vector<32x1xf32> -> vector<32x1xf32>
    %add3A_84 = vector.broadcast %dot_general3A_83 : vector<32x1xf32> to vector<32x128xf32>
    %add3A_85 = arith.addf %dot_general3A_78, %add3A_84 : vector<32x128xf32>
    %swap3A_86 = arith.constant 2 : index
    %swap3A_87 = arith.constant 0 : index
    %swap3A_88 = arith.constant 0 : index
    %swap3A_89 = vector.load %arg2[%swap3A_86, %swap3A_87, %swap3A_88] : memref<16x32x128xf32, #tpu.memory_space<vmem>>, vector<1x32x128xf32>
    %swap3A_90 = vector.shape_cast %swap3A_89 : vector<1x32x128xf32> to vector<32x128xf32>
    %swap3A_91 = vector.shape_cast %add3A_85 : vector<32x128xf32> to vector<1x32x128xf32>
    tpu.vector_store %arg2[%swap3A_86, %swap3A_87, %swap3A_88], %swap3A_91 {strides = array<i32>} : memref<16x32x128xf32, #tpu.memory_space<vmem>>, vector<1x32x128xf32>,
    %get3A_92 = arith.constant 3 : index
    %get3A_93 = arith.constant 0 : index
    %get3A_94 = arith.constant 0 : index
    %get3A_95 = vector.load %arg0[%get3A_92, %get3A_93, %get3A_94] : memref<16x3x4096xf32, #tpu.memory_space<vmem>>, vector<1x3x4096xf32>
    %get3A_96 = vector.shape_cast %get3A_95 : vector<1x3x4096xf32> to vector<3x4096xf32>
    %get3A_97 = arith.constant 3 : index
    %get3A_98 = arith.constant 0 : index
    %get3A_99 = arith.constant 0 : index
    %get3A_100 = vector.load %arg1[%get3A_97, %get3A_98, %get3A_99] : memref<16x3x4096xf32, #tpu.memory_space<vmem>>, vector<1x3x4096xf32>
    %get3A_101 = vector.shape_cast %get3A_100 : vector<1x3x4096xf32> to vector<3x4096xf32>
    %sub3A_102 = arith.subf %get3A_96, %get3A_101 : vector<3x4096xf32>
    %mul3A_103 = arith.mulf %sub3A_102, %sub3A_102 : vector<3x4096xf32>
    %dot_general3A_104 = arith.constant dense<0.000000e+00> : vector<1x4096xf32>
    %dot_general3A_105 = tpu.matmul %broadcast_in_dim3A_0, %mul3A_103, %dot_general3A_104 {dimension_numbers = #tpu.dot_dimension_numbers<[1], [0], [0], [1], [0, 0, 1, 1], [], []>, transpose_lhs_hint = false} : vector<1x3xf32>, vector<3x4096xf32>, vector<1x4096xf32> -> vector<1x4096xf32>
    %sqrt3A_106 = math.sqrt %dot_general3A_105 : vector<1x4096xf32>
    %reshape3A_107 = vector.shape_cast %sqrt3A_106 : vector<1x4096xf32> to vector<32x128xf32>
    %dot_general3A_108 = arith.constant dense<0.000000e+00> : vector<32x128xf32>
    %dot_general3A_109 = tpu.matmul %reshape3A_107, %convert_element_type3A_2, %dot_general3A_108 {dimension_numbers = #tpu.dot_dimension_numbers<[1], [0], [0], [1], [0, 0, 1, 1], [], []>, transpose_lhs_hint = false} : vector<32x128xf32>, vector<128x128xf32>, vector<32x128xf32> -> vector<32x128xf32>
    %reduce_sum3A_110 = arith.constant dense<0.000000e+00> : vector<32xf32>
    %reduce_sum3A_111 = vector.multi_reduction <add>, %reshape3A_107, %reduce_sum3A_110 [1] : vector<32x128xf32> to vector<32xf32>
    %broadcast_in_dim3A_112 = vector.shape_cast %reduce_sum3A_111 : vector<32xf32> to vector<32x1xf32>
    %dot_general3A_113 = arith.constant dense<0.000000e+00> : vector<32x1xf32>
    %dot_general3A_114 = tpu.matmul %convert_element_type3A_7, %broadcast_in_dim3A_112, %dot_general3A_113 {dimension_numbers = #tpu.dot_dimension_numbers<[1], [0], [0], [1], [0, 0, 1, 1], [], []>, transpose_lhs_hint = false} : vector<32x32xf32>, vector<32x1xf32>, vector<32x1xf32> -> vector<32x1xf32>
    %add3A_115 = vector.broadcast %dot_general3A_114 : vector<32x1xf32> to vector<32x128xf32>
    %add3A_116 = arith.addf %dot_general3A_109, %add3A_115 : vector<32x128xf32>
    %swap3A_117 = arith.constant 3 : index
    %swap3A_118 = arith.constant 0 : index
    %swap3A_119 = arith.constant 0 : index
    %swap3A_120 = vector.load %arg2[%swap3A_117, %swap3A_118, %swap3A_119] : memref<16x32x128xf32, #tpu.memory_space<vmem>>, vector<1x32x128xf32>
    %swap3A_121 = vector.shape_cast %swap3A_120 : vector<1x32x128xf32> to vector<32x128xf32>
    %swap3A_122 = vector.shape_cast %add3A_116 : vector<32x128xf32> to vector<1x32x128xf32>
    tpu.vector_store %arg2[%swap3A_117, %swap3A_118, %swap3A_119], %swap3A_122 {strides = array<i32>} : memref<16x32x128xf32, #tpu.memory_space<vmem>>, vector<1x32x128xf32>,
    %get3A_123 = arith.constant 4 : index
    %get3A_124 = arith.constant 0 : index
    %get3A_125 = arith.constant 0 : index
    %get3A_126 = vector.load %arg0[%get3A_123, %get3A_124, %get3A_125] : memref<16x3x4096xf32, #tpu.memory_space<vmem>>, vector<1x3x4096xf32>
    %get3A_127 = vector.shape_cast %get3A_126 : vector<1x3x4096xf32> to vector<3x4096xf32>
    %get3A_128 = arith.constant 4 : index
    %get3A_129 = arith.constant 0 : index
    %get3A_130 = arith.constant 0 : index
    %get3A_131 = vector.load %arg1[%get3A_128, %get3A_129, %get3A_130] : memref<16x3x4096xf32, #tpu.memory_space<vmem>>, vector<1x3x4096xf32>
    %get3A_132 = vector.shape_cast %get3A_131 : vector<1x3x4096xf32> to vector<3x4096xf32>
    %sub3A_133 = arith.subf %get3A_127, %get3A_132 : vector<3x4096xf32>
    %mul3A_134 = arith.mulf %sub3A_133, %sub3A_133 : vector<3x4096xf32>
    %dot_general3A_135 = arith.constant dense<0.000000e+00> : vector<1x4096xf32>
    %dot_general3A_136 = tpu.matmul %broadcast_in_dim3A_0, %mul3A_134, %dot_general3A_135 {dimension_numbers = #tpu.dot_dimension_numbers<[1], [0], [0], [1], [0, 0, 1, 1], [], []>, transpose_lhs_hint = false} : vector<1x3xf32>, vector<3x4096xf32>, vector<1x4096xf32> -> vector<1x4096xf32>
    %sqrt3A_137 = math.sqrt %dot_general3A_136 : vector<1x4096xf32>
    %reshape3A_138 = vector.shape_cast %sqrt3A_137 : vector<1x4096xf32> to vector<32x128xf32>
    %dot_general3A_139 = arith.constant dense<0.000000e+00> : vector<32x128xf32>
    %dot_general3A_140 = tpu.matmul %reshape3A_138, %convert_element_type3A_2, %dot_general3A_139 {dimension_numbers = #tpu.dot_dimension_numbers<[1], [0], [0], [1], [0, 0, 1, 1], [], []>, transpose_lhs_hint = false} : vector<32x128xf32>, vector<128x128xf32>, vector<32x128xf32> -> vector<32x128xf32>
    %reduce_sum3A_141 = arith.constant dense<0.000000e+00> : vector<32xf32>
    %reduce_sum3A_142 = vector.multi_reduction <add>, %reshape3A_138, %reduce_sum3A_141 [1] : vector<32x128xf32> to vector<32xf32>
    %broadcast_in_dim3A_143 = vector.shape_cast %reduce_sum3A_142 : vector<32xf32> to vector<32x1xf32>
    %dot_general3A_144 = arith.constant dense<0.000000e+00> : vector<32x1xf32>
    %dot_general3A_145 = tpu.matmul %convert_element_type3A_7, %broadcast_in_dim3A_143, %dot_general3A_144 {dimension_numbers = #tpu.dot_dimension_numbers<[1], [0], [0], [1], [0, 0, 1, 1], [], []>, transpose_lhs_hint = false} : vector<32x32xf32>, vector<32x1xf32>, vector<32x1xf32> -> vector<32x1xf32>
    %add3A_146 = vector.broadcast %dot_general3A_145 : vector<32x1xf32> to vector<32x128xf32>
    %add3A_147 = arith.addf %dot_general3A_140, %add3A_146 : vector<32x128xf32>
    %swap3A_148 = arith.constant 4 : index
    %swap3A_149 = arith.constant 0 : index
    %swap3A_150 = arith.constant 0 : index
    %swap3A_151 = vector.load %arg2[%swap3A_148, %swap3A_149, %swap3A_150] : memref<16x32x128xf32, #tpu.memory_space<vmem>>, vector<1x32x128xf32>
    %swap3A_152 = vector.shape_cast %swap3A_151 : vector<1x32x128xf32> to vector<32x128xf32>
    %swap3A_153 = vector.shape_cast %add3A_147 : vector<32x128xf32> to vector<1x32x128xf32>
    tpu.vector_store %arg2[%swap3A_148, %swap3A_149, %swap3A_150], %swap3A_153 {strides = array<i32>} : memref<16x32x128xf32, #tpu.memory_space<vmem>>, vector<1x32x128xf32>,
    %get3A_154 = arith.constant 5 : index
    %get3A_155 = arith.constant 0 : index
    %get3A_156 = arith.constant 0 : index
    %get3A_157 = vector.load %arg0[%get3A_154, %get3A_155, %get3A_156] : memref<16x3x4096xf32, #tpu.memory_space<vmem>>, vector<1x3x4096xf32>
    %get3A_158 = vector.shape_cast %get3A_157 : vector<1x3x4096xf32> to vector<3x4096xf32>
    %get3A_159 = arith.constant 5 : index
    %get3A_160 = arith.constant 0 : index
    %get3A_161 = arith.constant 0 : index
    %get3A_162 = vector.load %arg1[%get3A_159, %get3A_160, %get3A_161] : memref<16x3x4096xf32, #tpu.memory_space<vmem>>, vector<1x3x4096xf32>
    %get3A_163 = vector.shape_cast %get3A_162 : vector<1x3x4096xf32> to vector<3x4096xf32>
    %sub3A_164 = arith.subf %get3A_158, %get3A_163 : vector<3x4096xf32>
    %mul3A_165 = arith.mulf %sub3A_164, %sub3A_164 : vector<3x4096xf32>
    %dot_general3A_166 = arith.constant dense<0.000000e+00> : vector<1x4096xf32>
    %dot_general3A_167 = tpu.matmul %broadcast_in_dim3A_0, %mul3A_165, %dot_general3A_166 {dimension_numbers = #tpu.dot_dimension_numbers<[1], [0], [0], [1], [0, 0, 1, 1], [], []>, transpose_lhs_hint = false} : vector<1x3xf32>, vector<3x4096xf32>, vector<1x4096xf32> -> vector<1x4096xf32>
    %sqrt3A_168 = math.sqrt %dot_general3A_167 : vector<1x4096xf32>
    %reshape3A_169 = vector.shape_cast %sqrt3A_168 : vector<1x4096xf32> to vector<32x128xf32>
    %dot_general3A_170 = arith.constant dense<0.000000e+00> : vector<32x128xf32>
    %dot_general3A_171 = tpu.matmul %reshape3A_169, %convert_element_type3A_2, %dot_general3A_170 {dimension_numbers = #tpu.dot_dimension_numbers<[1], [0], [0], [1], [0, 0, 1, 1], [], []>, transpose_lhs_hint = false} : vector<32x128xf32>, vector<128x128xf32>, vector<32x128xf32> -> vector<32x128xf32>
    %reduce_sum3A_172 = arith.constant dense<0.000000e+00> : vector<32xf32>
    %reduce_sum3A_173 = vector.multi_reduction <add>, %reshape3A_169, %reduce_sum3A_172 [1] : vector<32x128xf32> to vector<32xf32>
    %broadcast_in_dim3A_174 = vector.shape_cast %reduce_sum3A_173 : vector<32xf32> to vector<32x1xf32>
    %dot_general3A_175 = arith.constant dense<0.000000e+00> : vector<32x1xf32>
    %dot_general3A_176 = tpu.matmul %convert_element_type3A_7, %broadcast_in_dim3A_174, %dot_general3A_175 {dimension_numbers = #tpu.dot_dimension_numbers<[1], [0], [0], [1], [0, 0, 1, 1], [], []>, transpose_lhs_hint = false} : vector<32x32xf32>, vector<32x1xf32>, vector<32x1xf32> -> vector<32x1xf32>
    %add3A_177 = vector.broadcast %dot_general3A_176 : vector<32x1xf32> to vector<32x128xf32>
    %add3A_178 = arith.addf %dot_general3A_171, %add3A_177 : vector<32x128xf32>
    %swap3A_179 = arith.constant 5 : index
    %swap3A_180 = arith.constant 0 : index
    %swap3A_181 = arith.constant 0 : index
    %swap3A_182 = vector.load %arg2[%swap3A_179, %swap3A_180, %swap3A_181] : memref<16x32x128xf32, #tpu.memory_space<vmem>>, vector<1x32x128xf32>
    %swap3A_183 = vector.shape_cast %swap3A_182 : vector<1x32x128xf32> to vector<32x128xf32>
    %swap3A_184 = vector.shape_cast %add3A_178 : vector<32x128xf32> to vector<1x32x128xf32>
    tpu.vector_store %arg2[%swap3A_179, %swap3A_180, %swap3A_181], %swap3A_184 {strides = array<i32>} : memref<16x32x128xf32, #tpu.memory_space<vmem>>, vector<1x32x128xf32>,
    %get3A_185 = arith.constant 6 : index
    %get3A_186 = arith.constant 0 : index
    %get3A_187 = arith.constant 0 : index
    %get3A_188 = vector.load %arg0[%get3A_185, %get3A_186, %get3A_187] : memref<16x3x4096xf32, #tpu.memory_space<vmem>>, vector<1x3x4096xf32>
    %get3A_189 = vector.shape_cast %get3A_188 : vector<1x3x4096xf32> to vector<3x4096xf32>
    %get3A_190 = arith.constant 6 : index
    %get3A_191 = arith.constant 0 : index
    %get3A_192 = arith.constant 0 : index
    %get3A_193 = vector.load %arg1[%get3A_190, %get3A_191, %get3A_192] : memref<16x3x4096xf32, #tpu.memory_space<vmem>>, vector<1x3x4096xf32>
    %get3A_194 = vector.shape_cast %get3A_193 : vector<1x3x4096xf32> to vector<3x4096xf32>
    %sub3A_195 = arith.subf %get3A_189, %get3A_194 : vector<3x4096xf32>
    %mul3A_196 = arith.mulf %sub3A_195, %sub3A_195 : vector<3x4096xf32>
    %dot_general3A_197 = arith.constant dense<0.000000e+00> : vector<1x4096xf32>
    %dot_general3A_198 = tpu.matmul %broadcast_in_dim3A_0, %mul3A_196, %dot_general3A_197 {dimension_numbers = #tpu.dot_dimension_numbers<[1], [0], [0], [1], [0, 0, 1, 1], [], []>, transpose_lhs_hint = false} : vector<1x3xf32>, vector<3x4096xf32>, vector<1x4096xf32> -> vector<1x4096xf32>
    %sqrt3A_199 = math.sqrt %dot_general3A_198 : vector<1x4096xf32>
    %reshape3A_200 = vector.shape_cast %sqrt3A_199 : vector<1x4096xf32> to vector<32x128xf32>
    %dot_general3A_201 = arith.constant dense<0.000000e+00> : vector<32x128xf32>
    %dot_general3A_202 = tpu.matmul %reshape3A_200, %convert_element_type3A_2, %dot_general3A_201 {dimension_numbers = #tpu.dot_dimension_numbers<[1], [0], [0], [1], [0, 0, 1, 1], [], []>, transpose_lhs_hint = false} : vector<32x128xf32>, vector<128x128xf32>, vector<32x128xf32> -> vector<32x128xf32>
    %reduce_sum3A_203 = arith.constant dense<0.000000e+00> : vector<32xf32>
    %reduce_sum3A_204 = vector.multi_reduction <add>, %reshape3A_200, %reduce_sum3A_203 [1] : vector<32x128xf32> to vector<32xf32>
    %broadcast_in_dim3A_205 = vector.shape_cast %reduce_sum3A_204 : vector<32xf32> to vector<32x1xf32>
    %dot_general3A_206 = arith.constant dense<0.000000e+00> : vector<32x1xf32>
    %dot_general3A_207 = tpu.matmul %convert_element_type3A_7, %broadcast_in_dim3A_205, %dot_general3A_206 {dimension_numbers = #tpu.dot_dimension_numbers<[1], [0], [0], [1], [0, 0, 1, 1], [], []>, transpose_lhs_hint = false} : vector<32x32xf32>, vector<32x1xf32>, vector<32x1xf32> -> vector<32x1xf32>
    %add3A_208 = vector.broadcast %dot_general3A_207 : vector<32x1xf32> to vector<32x128xf32>
    %add3A_209 = arith.addf %dot_general3A_202, %add3A_208 : vector<32x128xf32>
    %swap3A_210 = arith.constant 6 : index
    %swap3A_211 = arith.constant 0 : index
    %swap3A_212 = arith.constant 0 : index
    %swap3A_213 = vector.load %arg2[%swap3A_210, %swap3A_211, %swap3A_212] : memref<16x32x128xf32, #tpu.memory_space<vmem>>, vector<1x32x128xf32>
    %swap3A_214 = vector.shape_cast %swap3A_213 : vector<1x32x128xf32> to vector<32x128xf32>
    %swap3A_215 = vector.shape_cast %add3A_209 : vector<32x128xf32> to vector<1x32x128xf32>
    tpu.vector_store %arg2[%swap3A_210, %swap3A_211, %swap3A_212], %swap3A_215 {strides = array<i32>} : memref<16x32x128xf32, #tpu.memory_space<vmem>>, vector<1x32x128xf32>,
    %get3A_216 = arith.constant 7 : index
    %get3A_217 = arith.constant 0 : index
    %get3A_218 = arith.constant 0 : index
    %get3A_219 = vector.load %arg0[%get3A_216, %get3A_217, %get3A_218] : memref<16x3x4096xf32, #tpu.memory_space<vmem>>, vector<1x3x4096xf32>
    %get3A_220 = vector.shape_cast %get3A_219 : vector<1x3x4096xf32> to vector<3x4096xf32>
    %get3A_221 = arith.constant 7 : index
    %get3A_222 = arith.constant 0 : index
    %get3A_223 = arith.constant 0 : index
    %get3A_224 = vector.load %arg1[%get3A_221, %get3A_222, %get3A_223] : memref<16x3x4096xf32, #tpu.memory_space<vmem>>, vector<1x3x4096xf32>
    %get3A_225 = vector.shape_cast %get3A_224 : vector<1x3x4096xf32> to vector<3x4096xf32>
    %sub3A_226 = arith.subf %get3A_220, %get3A_225 : vector<3x4096xf32>
    %mul3A_227 = arith.mulf %sub3A_226, %sub3A_226 : vector<3x4096xf32>
    %dot_general3A_228 = arith.constant dense<0.000000e+00> : vector<1x4096xf32>
    %dot_general3A_229 = tpu.matmul %broadcast_in_dim3A_0, %mul3A_227, %dot_general3A_228 {dimension_numbers = #tpu.dot_dimension_numbers<[1], [0], [0], [1], [0, 0, 1, 1], [], []>, transpose_lhs_hint = false} : vector<1x3xf32>, vector<3x4096xf32>, vector<1x4096xf32> -> vector<1x4096xf32>
    %sqrt3A_230 = math.sqrt %dot_general3A_229 : vector<1x4096xf32>
    %reshape3A_231 = vector.shape_cast %sqrt3A_230 : vector<1x4096xf32> to vector<32x128xf32>
    %dot_general3A_232 = arith.constant dense<0.000000e+00> : vector<32x128xf32>
    %dot_general3A_233 = tpu.matmul %reshape3A_231, %convert_element_type3A_2, %dot_general3A_232 {dimension_numbers = #tpu.dot_dimension_numbers<[1], [0], [0], [1], [0, 0, 1, 1], [], []>, transpose_lhs_hint = false} : vector<32x128xf32>, vector<128x128xf32>, vector<32x128xf32> -> vector<32x128xf32>
    %reduce_sum3A_234 = arith.constant dense<0.000000e+00> : vector<32xf32>
    %reduce_sum3A_235 = vector.multi_reduction <add>, %reshape3A_231, %reduce_sum3A_234 [1] : vector<32x128xf32> to vector<32xf32>
    %broadcast_in_dim3A_236 = vector.shape_cast %reduce_sum3A_235 : vector<32xf32> to vector<32x1xf32>
    %dot_general3A_237 = arith.constant dense<0.000000e+00> : vector<32x1xf32>
    %dot_general3A_238 = tpu.matmul %convert_element_type3A_7, %broadcast_in_dim3A_236, %dot_general3A_237 {dimension_numbers = #tpu.dot_dimension_numbers<[1], [0], [0], [1], [0, 0, 1, 1], [], []>, transpose_lhs_hint = false} : vector<32x32xf32>, vector<32x1xf32>, vector<32x1xf32> -> vector<32x1xf32>
    %add3A_239 = vector.broadcast %dot_general3A_238 : vector<32x1xf32> to vector<32x128xf32>
    %add3A_240 = arith.addf %dot_general3A_233, %add3A_239 : vector<32x128xf32>
    %swap3A_241 = arith.constant 7 : index
    %swap3A_242 = arith.constant 0 : index
    %swap3A_243 = arith.constant 0 : index
    %swap3A_244 = vector.load %arg2[%swap3A_241, %swap3A_242, %swap3A_243] : memref<16x32x128xf32, #tpu.memory_space<vmem>>, vector<1x32x128xf32>
    %swap3A_245 = vector.shape_cast %swap3A_244 : vector<1x32x128xf32> to vector<32x128xf32>
    %swap3A_246 = vector.shape_cast %add3A_240 : vector<32x128xf32> to vector<1x32x128xf32>
    tpu.vector_store %arg2[%swap3A_241, %swap3A_242, %swap3A_243], %swap3A_246 {strides = array<i32>} : memref<16x32x128xf32, #tpu.memory_space<vmem>>, vector<1x32x128xf32>,
    %get3A_247 = arith.constant 8 : index
    %get3A_248 = arith.constant 0 : index
    %get3A_249 = arith.constant 0 : index
    %get3A_250 = vector.load %arg0[%get3A_247, %get3A_248, %get3A_249] : memref<16x3x4096xf32, #tpu.memory_space<vmem>>, vector<1x3x4096xf32>
    %get3A_251 = vector.shape_cast %get3A_250 : vector<1x3x4096xf32> to vector<3x4096xf32>
    %get3A_252 = arith.constant 8 : index
    %get3A_253 = arith.constant 0 : index
    %get3A_254 = arith.constant 0 : index
    %get3A_255 = vector.load %arg1[%get3A_252, %get3A_253, %get3A_254] : memref<16x3x4096xf32, #tpu.memory_space<vmem>>, vector<1x3x4096xf32>
    %get3A_256 = vector.shape_cast %get3A_255 : vector<1x3x4096xf32> to vector<3x4096xf32>
    %sub3A_257 = arith.subf %get3A_251, %get3A_256 : vector<3x4096xf32>
    %mul3A_258 = arith.mulf %sub3A_257, %sub3A_257 : vector<3x4096xf32>
    %dot_general3A_259 = arith.constant dense<0.000000e+00> : vector<1x4096xf32>
    %dot_general3A_260 = tpu.matmul %broadcast_in_dim3A_0, %mul3A_258, %dot_general3A_259 {dimension_numbers = #tpu.dot_dimension_numbers<[1], [0], [0], [1], [0, 0, 1, 1], [], []>, transpose_lhs_hint = false} : vector<1x3xf32>, vector<3x4096xf32>, vector<1x4096xf32> -> vector<1x4096xf32>
    %sqrt3A_261 = math.sqrt %dot_general3A_260 : vector<1x4096xf32>
    %reshape3A_262 = vector.shape_cast %sqrt3A_261 : vector<1x4096xf32> to vector<32x128xf32>
    %dot_general3A_263 = arith.constant dense<0.000000e+00> : vector<32x128xf32>
    %dot_general3A_264 = tpu.matmul %reshape3A_262, %convert_element_type3A_2, %dot_general3A_263 {dimension_numbers = #tpu.dot_dimension_numbers<[1], [0], [0], [1], [0, 0, 1, 1], [], []>, transpose_lhs_hint = false} : vector<32x128xf32>, vector<128x128xf32>, vector<32x128xf32> -> vector<32x128xf32>
    %reduce_sum3A_265 = arith.constant dense<0.000000e+00> : vector<32xf32>
    %reduce_sum3A_266 = vector.multi_reduction <add>, %reshape3A_262, %reduce_sum3A_265 [1] : vector<32x128xf32> to vector<32xf32>
    %broadcast_in_dim3A_267 = vector.shape_cast %reduce_sum3A_266 : vector<32xf32> to vector<32x1xf32>
    %dot_general3A_268 = arith.constant dense<0.000000e+00> : vector<32x1xf32>
    %dot_general3A_269 = tpu.matmul %convert_element_type3A_7, %broadcast_in_dim3A_267, %dot_general3A_268 {dimension_numbers = #tpu.dot_dimension_numbers<[1], [0], [0], [1], [0, 0, 1, 1], [], []>, transpose_lhs_hint = false} : vector<32x32xf32>, vector<32x1xf32>, vector<32x1xf32> -> vector<32x1xf32>
    %add3A_270 = vector.broadcast %dot_general3A_269 : vector<32x1xf32> to vector<32x128xf32>
    %add3A_271 = arith.addf %dot_general3A_264, %add3A_270 : vector<32x128xf32>
    %swap3A_272 = arith.constant 8 : index
    %swap3A_273 = arith.constant 0 : index
    %swap3A_274 = arith.constant 0 : index
    %swap3A_275 = vector.load %arg2[%swap3A_272, %swap3A_273, %swap3A_274] : memref<16x32x128xf32, #tpu.memory_space<vmem>>, vector<1x32x128xf32>
    %swap3A_276 = vector.shape_cast %swap3A_275 : vector<1x32x128xf32> to vector<32x128xf32>
    %swap3A_277 = vector.shape_cast %add3A_271 : vector<32x128xf32> to vector<1x32x128xf32>
    tpu.vector_store %arg2[%swap3A_272, %swap3A_273, %swap3A_274], %swap3A_277 {strides = array<i32>} : memref<16x32x128xf32, #tpu.memory_space<vmem>>, vector<1x32x128xf32>,
    %get3A_278 = arith.constant 9 : index
    %get3A_279 = arith.constant 0 : index
    %get3A_280 = arith.constant 0 : index
    %get3A_281 = vector.load %arg0[%get3A_278, %get3A_279, %get3A_280] : memref<16x3x4096xf32, #tpu.memory_space<vmem>>, vector<1x3x4096xf32>
    %get3A_282 = vector.shape_cast %get3A_281 : vector<1x3x4096xf32> to vector<3x4096xf32>
    %get3A_283 = arith.constant 9 : index
    %get3A_284 = arith.constant 0 : index
    %get3A_285 = arith.constant 0 : index
    %get3A_286 = vector.load %arg1[%get3A_283, %get3A_284, %get3A_285] : memref<16x3x4096xf32, #tpu.memory_space<vmem>>, vector<1x3x4096xf32>
    %get3A_287 = vector.shape_cast %get3A_286 : vector<1x3x4096xf32> to vector<3x4096xf32>
    %sub3A_288 = arith.subf %get3A_282, %get3A_287 : vector<3x4096xf32>
    %mul3A_289 = arith.mulf %sub3A_288, %sub3A_288 : vector<3x4096xf32>
    %dot_general3A_290 = arith.constant dense<0.000000e+00> : vector<1x4096xf32>
    %dot_general3A_291 = tpu.matmul %broadcast_in_dim3A_0, %mul3A_289, %dot_general3A_290 {dimension_numbers = #tpu.dot_dimension_numbers<[1], [0], [0], [1], [0, 0, 1, 1], [], []>, transpose_lhs_hint = false} : vector<1x3xf32>, vector<3x4096xf32>, vector<1x4096xf32> -> vector<1x4096xf32>
    %sqrt3A_292 = math.sqrt %dot_general3A_291 : vector<1x4096xf32>
    %reshape3A_293 = vector.shape_cast %sqrt3A_292 : vector<1x4096xf32> to vector<32x128xf32>
    %dot_general3A_294 = arith.constant dense<0.000000e+00> : vector<32x128xf32>
    %dot_general3A_295 = tpu.matmul %reshape3A_293, %convert_element_type3A_2, %dot_general3A_294 {dimension_numbers = #tpu.dot_dimension_numbers<[1], [0], [0], [1], [0, 0, 1, 1], [], []>, transpose_lhs_hint = false} : vector<32x128xf32>, vector<128x128xf32>, vector<32x128xf32> -> vector<32x128xf32>
    %reduce_sum3A_296 = arith.constant dense<0.000000e+00> : vector<32xf32>
    %reduce_sum3A_297 = vector.multi_reduction <add>, %reshape3A_293, %reduce_sum3A_296 [1] : vector<32x128xf32> to vector<32xf32>
    %broadcast_in_dim3A_298 = vector.shape_cast %reduce_sum3A_297 : vector<32xf32> to vector<32x1xf32>
    %dot_general3A_299 = arith.constant dense<0.000000e+00> : vector<32x1xf32>
    %dot_general3A_300 = tpu.matmul %convert_element_type3A_7, %broadcast_in_dim3A_298, %dot_general3A_299 {dimension_numbers = #tpu.dot_dimension_numbers<[1], [0], [0], [1], [0, 0, 1, 1], [], []>, transpose_lhs_hint = false} : vector<32x32xf32>, vector<32x1xf32>, vector<32x1xf32> -> vector<32x1xf32>
    %add3A_301 = vector.broadcast %dot_general3A_300 : vector<32x1xf32> to vector<32x128xf32>
    %add3A_302 = arith.addf %dot_general3A_295, %add3A_301 : vector<32x128xf32>
    %swap3A_303 = arith.constant 9 : index
    %swap3A_304 = arith.constant 0 : index
    %swap3A_305 = arith.constant 0 : index
    %swap3A_306 = vector.load %arg2[%swap3A_303, %swap3A_304, %swap3A_305] : memref<16x32x128xf32, #tpu.memory_space<vmem>>, vector<1x32x128xf32>
    %swap3A_307 = vector.shape_cast %swap3A_306 : vector<1x32x128xf32> to vector<32x128xf32>
    %swap3A_308 = vector.shape_cast %add3A_302 : vector<32x128xf32> to vector<1x32x128xf32>
    tpu.vector_store %arg2[%swap3A_303, %swap3A_304, %swap3A_305], %swap3A_308 {strides = array<i32>} : memref<16x32x128xf32, #tpu.memory_space<vmem>>, vector<1x32x128xf32>,
    %get3A_309 = arith.constant 10 : index
    %get3A_310 = arith.constant 0 : index
    %get3A_311 = arith.constant 0 : index
    %get3A_312 = vector.load %arg0[%get3A_309, %get3A_310, %get3A_311] : memref<16x3x4096xf32, #tpu.memory_space<vmem>>, vector<1x3x4096xf32>
    %get3A_313 = vector.shape_cast %get3A_312 : vector<1x3x4096xf32> to vector<3x4096xf32>
    %get3A_314 = arith.constant 10 : index
    %get3A_315 = arith.constant 0 : index
    %get3A_316 = arith.constant 0 : index
    %get3A_317 = vector.load %arg1[%get3A_314, %get3A_315, %get3A_316] : memref<16x3x4096xf32, #tpu.memory_space<vmem>>, vector<1x3x4096xf32>
    %get3A_318 = vector.shape_cast %get3A_317 : vector<1x3x4096xf32> to vector<3x4096xf32>
    %sub3A_319 = arith.subf %get3A_313, %get3A_318 : vector<3x4096xf32>
    %mul3A_320 = arith.mulf %sub3A_319, %sub3A_319 : vector<3x4096xf32>
    %dot_general3A_321 = arith.constant dense<0.000000e+00> : vector<1x4096xf32>
    %dot_general3A_322 = tpu.matmul %broadcast_in_dim3A_0, %mul3A_320, %dot_general3A_321 {dimension_numbers = #tpu.dot_dimension_numbers<[1], [0], [0], [1], [0, 0, 1, 1], [], []>, transpose_lhs_hint = false} : vector<1x3xf32>, vector<3x4096xf32>, vector<1x4096xf32> -> vector<1x4096xf32>
    %sqrt3A_323 = math.sqrt %dot_general3A_322 : vector<1x4096xf32>
    %reshape3A_324 = vector.shape_cast %sqrt3A_323 : vector<1x4096xf32> to vector<32x128xf32>
    %dot_general3A_325 = arith.constant dense<0.000000e+00> : vector<32x128xf32>
    %dot_general3A_326 = tpu.matmul %reshape3A_324, %convert_element_type3A_2, %dot_general3A_325 {dimension_numbers = #tpu.dot_dimension_numbers<[1], [0], [0], [1], [0, 0, 1, 1], [], []>, transpose_lhs_hint = false} : vector<32x128xf32>, vector<128x128xf32>, vector<32x128xf32> -> vector<32x128xf32>
    %reduce_sum3A_327 = arith.constant dense<0.000000e+00> : vector<32xf32>
    %reduce_sum3A_328 = vector.multi_reduction <add>, %reshape3A_324, %reduce_sum3A_327 [1] : vector<32x128xf32> to vector<32xf32>
    %broadcast_in_dim3A_329 = vector.shape_cast %reduce_sum3A_328 : vector<32xf32> to vector<32x1xf32>
    %dot_general3A_330 = arith.constant dense<0.000000e+00> : vector<32x1xf32>
    %dot_general3A_331 = tpu.matmul %convert_element_type3A_7, %broadcast_in_dim3A_329, %dot_general3A_330 {dimension_numbers = #tpu.dot_dimension_numbers<[1], [0], [0], [1], [0, 0, 1, 1], [], []>, transpose_lhs_hint = false} : vector<32x32xf32>, vector<32x1xf32>, vector<32x1xf32> -> vector<32x1xf32>
    %add3A_332 = vector.broadcast %dot_general3A_331 : vector<32x1xf32> to vector<32x128xf32>
    %add3A_333 = arith.addf %dot_general3A_326, %add3A_332 : vector<32x128xf32>
    %swap3A_334 = arith.constant 10 : index
    %swap3A_335 = arith.constant 0 : index
    %swap3A_336 = arith.constant 0 : index
    %swap3A_337 = vector.load %arg2[%swap3A_334, %swap3A_335, %swap3A_336] : memref<16x32x128xf32, #tpu.memory_space<vmem>>, vector<1x32x128xf32>
    %swap3A_338 = vector.shape_cast %swap3A_337 : vector<1x32x128xf32> to vector<32x128xf32>
    %swap3A_339 = vector.shape_cast %add3A_333 : vector<32x128xf32> to vector<1x32x128xf32>
    tpu.vector_store %arg2[%swap3A_334, %swap3A_335, %swap3A_336], %swap3A_339 {strides = array<i32>} : memref<16x32x128xf32, #tpu.memory_space<vmem>>, vector<1x32x128xf32>,
    %get3A_340 = arith.constant 11 : index
    %get3A_341 = arith.constant 0 : index
    %get3A_342 = arith.constant 0 : index
    %get3A_343 = vector.load %arg0[%get3A_340, %get3A_341, %get3A_342] : memref<16x3x4096xf32, #tpu.memory_space<vmem>>, vector<1x3x4096xf32>
    %get3A_344 = vector.shape_cast %get3A_343 : vector<1x3x4096xf32> to vector<3x4096xf32>
    %get3A_345 = arith.constant 11 : index
    %get3A_346 = arith.constant 0 : index
    %get3A_347 = arith.constant 0 : index
    %get3A_348 = vector.load %arg1[%get3A_345, %get3A_346, %get3A_347] : memref<16x3x4096xf32, #tpu.memory_space<vmem>>, vector<1x3x4096xf32>
    %get3A_349 = vector.shape_cast %get3A_348 : vector<1x3x4096xf32> to vector<3x4096xf32>
    %sub3A_350 = arith.subf %get3A_344, %get3A_349 : vector<3x4096xf32>
    %mul3A_351 = arith.mulf %sub3A_350, %sub3A_350 : vector<3x4096xf32>
    %dot_general3A_352 = arith.constant dense<0.000000e+00> : vector<1x4096xf32>
    %dot_general3A_353 = tpu.matmul %broadcast_in_dim3A_0, %mul3A_351, %dot_general3A_352 {dimension_numbers = #tpu.dot_dimension_numbers<[1], [0], [0], [1], [0, 0, 1, 1], [], []>, transpose_lhs_hint = false} : vector<1x3xf32>, vector<3x4096xf32>, vector<1x4096xf32> -> vector<1x4096xf32>
    %sqrt3A_354 = math.sqrt %dot_general3A_353 : vector<1x4096xf32>
    %reshape3A_355 = vector.shape_cast %sqrt3A_354 : vector<1x4096xf32> to vector<32x128xf32>
    %dot_general3A_356 = arith.constant dense<0.000000e+00> : vector<32x128xf32>
    %dot_general3A_357 = tpu.matmul %reshape3A_355, %convert_element_type3A_2, %dot_general3A_356 {dimension_numbers = #tpu.dot_dimension_numbers<[1], [0], [0], [1], [0, 0, 1, 1], [], []>, transpose_lhs_hint = false} : vector<32x128xf32>, vector<128x128xf32>, vector<32x128xf32> -> vector<32x128xf32>
    %reduce_sum3A_358 = arith.constant dense<0.000000e+00> : vector<32xf32>
    %reduce_sum3A_359 = vector.multi_reduction <add>, %reshape3A_355, %reduce_sum3A_358 [1] : vector<32x128xf32> to vector<32xf32>
    %broadcast_in_dim3A_360 = vector.shape_cast %reduce_sum3A_359 : vector<32xf32> to vector<32x1xf32>
    %dot_general3A_361 = arith.constant dense<0.000000e+00> : vector<32x1xf32>
    %dot_general3A_362 = tpu.matmul %convert_element_type3A_7, %broadcast_in_dim3A_360, %dot_general3A_361 {dimension_numbers = #tpu.dot_dimension_numbers<[1], [0], [0], [1], [0, 0, 1, 1], [], []>, transpose_lhs_hint = false} : vector<32x32xf32>, vector<32x1xf32>, vector<32x1xf32> -> vector<32x1xf32>
    %add3A_363 = vector.broadcast %dot_general3A_362 : vector<32x1xf32> to vector<32x128xf32>
    %add3A_364 = arith.addf %dot_general3A_357, %add3A_363 : vector<32x128xf32>
    %swap3A_365 = arith.constant 11 : index
    %swap3A_366 = arith.constant 0 : index
    %swap3A_367 = arith.constant 0 : index
    %swap3A_368 = vector.load %arg2[%swap3A_365, %swap3A_366, %swap3A_367] : memref<16x32x128xf32, #tpu.memory_space<vmem>>, vector<1x32x128xf32>
    %swap3A_369 = vector.shape_cast %swap3A_368 : vector<1x32x128xf32> to vector<32x128xf32>
    %swap3A_370 = vector.shape_cast %add3A_364 : vector<32x128xf32> to vector<1x32x128xf32>
    tpu.vector_store %arg2[%swap3A_365, %swap3A_366, %swap3A_367], %swap3A_370 {strides = array<i32>} : memref<16x32x128xf32, #tpu.memory_space<vmem>>, vector<1x32x128xf32>,
    %get3A_371 = arith.constant 12 : index
    %get3A_372 = arith.constant 0 : index
    %get3A_373 = arith.constant 0 : index
    %get3A_374 = vector.load %arg0[%get3A_371, %get3A_372, %get3A_373] : memref<16x3x4096xf32, #tpu.memory_space<vmem>>, vector<1x3x4096xf32>
    %get3A_375 = vector.shape_cast %get3A_374 : vector<1x3x4096xf32> to vector<3x4096xf32>
    %get3A_376 = arith.constant 12 : index
    %get3A_377 = arith.constant 0 : index
    %get3A_378 = arith.constant 0 : index
    %get3A_379 = vector.load %arg1[%get3A_376, %get3A_377, %get3A_378] : memref<16x3x4096xf32, #tpu.memory_space<vmem>>, vector<1x3x4096xf32>
    %get3A_380 = vector.shape_cast %get3A_379 : vector<1x3x4096xf32> to vector<3x4096xf32>
    %sub3A_381 = arith.subf %get3A_375, %get3A_380 : vector<3x4096xf32>
    %mul3A_382 = arith.mulf %sub3A_381, %sub3A_381 : vector<3x4096xf32>
    %dot_general3A_383 = arith.constant dense<0.000000e+00> : vector<1x4096xf32>
    %dot_general3A_384 = tpu.matmul %broadcast_in_dim3A_0, %mul3A_382, %dot_general3A_383 {dimension_numbers = #tpu.dot_dimension_numbers<[1], [0], [0], [1], [0, 0, 1, 1], [], []>, transpose_lhs_hint = false} : vector<1x3xf32>, vector<3x4096xf32>, vector<1x4096xf32> -> vector<1x4096xf32>
    %sqrt3A_385 = math.sqrt %dot_general3A_384 : vector<1x4096xf32>
    %reshape3A_386 = vector.shape_cast %sqrt3A_385 : vector<1x4096xf32> to vector<32x128xf32>
    %dot_general3A_387 = arith.constant dense<0.000000e+00> : vector<32x128xf32>
    %dot_general3A_388 = tpu.matmul %reshape3A_386, %convert_element_type3A_2, %dot_general3A_387 {dimension_numbers = #tpu.dot_dimension_numbers<[1], [0], [0], [1], [0, 0, 1, 1], [], []>, transpose_lhs_hint = false} : vector<32x128xf32>, vector<128x128xf32>, vector<32x128xf32> -> vector<32x128xf32>
    %reduce_sum3A_389 = arith.constant dense<0.000000e+00> : vector<32xf32>
    %reduce_sum3A_390 = vector.multi_reduction <add>, %reshape3A_386, %reduce_sum3A_389 [1] : vector<32x128xf32> to vector<32xf32>
    %broadcast_in_dim3A_391 = vector.shape_cast %reduce_sum3A_390 : vector<32xf32> to vector<32x1xf32>
    %dot_general3A_392 = arith.constant dense<0.000000e+00> : vector<32x1xf32>
    %dot_general3A_393 = tpu.matmul %convert_element_type3A_7, %broadcast_in_dim3A_391, %dot_general3A_392 {dimension_numbers = #tpu.dot_dimension_numbers<[1], [0], [0], [1], [0, 0, 1, 1], [], []>, transpose_lhs_hint = false} : vector<32x32xf32>, vector<32x1xf32>, vector<32x1xf32> -> vector<32x1xf32>
    %add3A_394 = vector.broadcast %dot_general3A_393 : vector<32x1xf32> to vector<32x128xf32>
    %add3A_395 = arith.addf %dot_general3A_388, %add3A_394 : vector<32x128xf32>
    %swap3A_396 = arith.constant 12 : index
    %swap3A_397 = arith.constant 0 : index
    %swap3A_398 = arith.constant 0 : index
    %swap3A_399 = vector.load %arg2[%swap3A_396, %swap3A_397, %swap3A_398] : memref<16x32x128xf32, #tpu.memory_space<vmem>>, vector<1x32x128xf32>
    %swap3A_400 = vector.shape_cast %swap3A_399 : vector<1x32x128xf32> to vector<32x128xf32>
    %swap3A_401 = vector.shape_cast %add3A_395 : vector<32x128xf32> to vector<1x32x128xf32>
    tpu.vector_store %arg2[%swap3A_396, %swap3A_397, %swap3A_398], %swap3A_401 {strides = array<i32>} : memref<16x32x128xf32, #tpu.memory_space<vmem>>, vector<1x32x128xf32>,
    %get3A_402 = arith.constant 13 : index
    %get3A_403 = arith.constant 0 : index
    %get3A_404 = arith.constant 0 : index
    %get3A_405 = vector.load %arg0[%get3A_402, %get3A_403, %get3A_404] : memref<16x3x4096xf32, #tpu.memory_space<vmem>>, vector<1x3x4096xf32>
    %get3A_406 = vector.shape_cast %get3A_405 : vector<1x3x4096xf32> to vector<3x4096xf32>
    %get3A_407 = arith.constant 13 : index
    %get3A_408 = arith.constant 0 : index
    %get3A_409 = arith.constant 0 : index
    %get3A_410 = vector.load %arg1[%get3A_407, %get3A_408, %get3A_409] : memref<16x3x4096xf32, #tpu.memory_space<vmem>>, vector<1x3x4096xf32>
    %get3A_411 = vector.shape_cast %get3A_410 : vector<1x3x4096xf32> to vector<3x4096xf32>
    %sub3A_412 = arith.subf %get3A_406, %get3A_411 : vector<3x4096xf32>
    %mul3A_413 = arith.mulf %sub3A_412, %sub3A_412 : vector<3x4096xf32>
    %dot_general3A_414 = arith.constant dense<0.000000e+00> : vector<1x4096xf32>
    %dot_general3A_415 = tpu.matmul %broadcast_in_dim3A_0, %mul3A_413, %dot_general3A_414 {dimension_numbers = #tpu.dot_dimension_numbers<[1], [0], [0], [1], [0, 0, 1, 1], [], []>, transpose_lhs_hint = false} : vector<1x3xf32>, vector<3x4096xf32>, vector<1x4096xf32> -> vector<1x4096xf32>
    %sqrt3A_416 = math.sqrt %dot_general3A_415 : vector<1x4096xf32>
    %reshape3A_417 = vector.shape_cast %sqrt3A_416 : vector<1x4096xf32> to vector<32x128xf32>
    %dot_general3A_418 = arith.constant dense<0.000000e+00> : vector<32x128xf32>
    %dot_general3A_419 = tpu.matmul %reshape3A_417, %convert_element_type3A_2, %dot_general3A_418 {dimension_numbers = #tpu.dot_dimension_numbers<[1], [0], [0], [1], [0, 0, 1, 1], [], []>, transpose_lhs_hint = false} : vector<32x128xf32>, vector<128x128xf32>, vector<32x128xf32> -> vector<32x128xf32>
    %reduce_sum3A_420 = arith.constant dense<0.000000e+00> : vector<32xf32>
    %reduce_sum3A_421 = vector.multi_reduction <add>, %reshape3A_417, %reduce_sum3A_420 [1] : vector<32x128xf32> to vector<32xf32>
    %broadcast_in_dim3A_422 = vector.shape_cast %reduce_sum3A_421 : vector<32xf32> to vector<32x1xf32>
    %dot_general3A_423 = arith.constant dense<0.000000e+00> : vector<32x1xf32>
    %dot_general3A_424 = tpu.matmul %convert_element_type3A_7, %broadcast_in_dim3A_422, %dot_general3A_423 {dimension_numbers = #tpu.dot_dimension_numbers<[1], [0], [0], [1], [0, 0, 1, 1], [], []>, transpose_lhs_hint = false} : vector<32x32xf32>, vector<32x1xf32>, vector<32x1xf32> -> vector<32x1xf32>
    %add3A_425 = vector.broadcast %dot_general3A_424 : vector<32x1xf32> to vector<32x128xf32>
    %add3A_426 = arith.addf %dot_general3A_419, %add3A_425 : vector<32x128xf32>
    %swap3A_427 = arith.constant 13 : index
    %swap3A_428 = arith.constant 0 : index
    %swap3A_429 = arith.constant 0 : index
    %swap3A_430 = vector.load %arg2[%swap3A_427, %swap3A_428, %swap3A_429] : memref<16x32x128xf32, #tpu.memory_space<vmem>>, vector<1x32x128xf32>
    %swap3A_431 = vector.shape_cast %swap3A_430 : vector<1x32x128xf32> to vector<32x128xf32>
    %swap3A_432 = vector.shape_cast %add3A_426 : vector<32x128xf32> to vector<1x32x128xf32>
    tpu.vector_store %arg2[%swap3A_427, %swap3A_428, %swap3A_429], %swap3A_432 {strides = array<i32>} : memref<16x32x128xf32, #tpu.memory_space<vmem>>, vector<1x32x128xf32>,
    %get3A_433 = arith.constant 14 : index
    %get3A_434 = arith.constant 0 : index
    %get3A_435 = arith.constant 0 : index
    %get3A_436 = vector.load %arg0[%get3A_433, %get3A_434, %get3A_435] : memref<16x3x4096xf32, #tpu.memory_space<vmem>>, vector<1x3x4096xf32>
    %get3A_437 = vector.shape_cast %get3A_436 : vector<1x3x4096xf32> to vector<3x4096xf32>
    %get3A_438 = arith.constant 14 : index
    %get3A_439 = arith.constant 0 : index
    %get3A_440 = arith.constant 0 : index
    %get3A_441 = vector.load %arg1[%get3A_438, %get3A_439, %get3A_440] : memref<16x3x4096xf32, #tpu.memory_space<vmem>>, vector<1x3x4096xf32>
    %get3A_442 = vector.shape_cast %get3A_441 : vector<1x3x4096xf32> to vector<3x4096xf32>
    %sub3A_443 = arith.subf %get3A_437, %get3A_442 : vector<3x4096xf32>
    %mul3A_444 = arith.mulf %sub3A_443, %sub3A_443 : vector<3x4096xf32>
    %dot_general3A_445 = arith.constant dense<0.000000e+00> : vector<1x4096xf32>
    %dot_general3A_446 = tpu.matmul %broadcast_in_dim3A_0, %mul3A_444, %dot_general3A_445 {dimension_numbers = #tpu.dot_dimension_numbers<[1], [0], [0], [1], [0, 0, 1, 1], [], []>, transpose_lhs_hint = false} : vector<1x3xf32>, vector<3x4096xf32>, vector<1x4096xf32> -> vector<1x4096xf32>
    %sqrt3A_447 = math.sqrt %dot_general3A_446 : vector<1x4096xf32>
    %reshape3A_448 = vector.shape_cast %sqrt3A_447 : vector<1x4096xf32> to vector<32x128xf32>
    %dot_general3A_449 = arith.constant dense<0.000000e+00> : vector<32x128xf32>
    %dot_general3A_450 = tpu.matmul %reshape3A_448, %convert_element_type3A_2, %dot_general3A_449 {dimension_numbers = #tpu.dot_dimension_numbers<[1], [0], [0], [1], [0, 0, 1, 1], [], []>, transpose_lhs_hint = false} : vector<32x128xf32>, vector<128x128xf32>, vector<32x128xf32> -> vector<32x128xf32>
    %reduce_sum3A_451 = arith.constant dense<0.000000e+00> : vector<32xf32>
    %reduce_sum3A_452 = vector.multi_reduction <add>, %reshape3A_448, %reduce_sum3A_451 [1] : vector<32x128xf32> to vector<32xf32>
    %broadcast_in_dim3A_453 = vector.shape_cast %reduce_sum3A_452 : vector<32xf32> to vector<32x1xf32>
    %dot_general3A_454 = arith.constant dense<0.000000e+00> : vector<32x1xf32>
    %dot_general3A_455 = tpu.matmul %convert_element_type3A_7, %broadcast_in_dim3A_453, %dot_general3A_454 {dimension_numbers = #tpu.dot_dimension_numbers<[1], [0], [0], [1], [0, 0, 1, 1], [], []>, transpose_lhs_hint = false} : vector<32x32xf32>, vector<32x1xf32>, vector<32x1xf32> -> vector<32x1xf32>
    %add3A_456 = vector.broadcast %dot_general3A_455 : vector<32x1xf32> to vector<32x128xf32>
    %add3A_457 = arith.addf %dot_general3A_450, %add3A_456 : vector<32x128xf32>
    %swap3A_458 = arith.constant 14 : index
    %swap3A_459 = arith.constant 0 : index
    %swap3A_460 = arith.constant 0 : index
    %swap3A_461 = vector.load %arg2[%swap3A_458, %swap3A_459, %swap3A_460] : memref<16x32x128xf32, #tpu.memory_space<vmem>>, vector<1x32x128xf32>
    %swap3A_462 = vector.shape_cast %swap3A_461 : vector<1x32x128xf32> to vector<32x128xf32>
    %swap3A_463 = vector.shape_cast %add3A_457 : vector<32x128xf32> to vector<1x32x128xf32>
    tpu.vector_store %arg2[%swap3A_458, %swap3A_459, %swap3A_460], %swap3A_463 {strides = array<i32>} : memref<16x32x128xf32, #tpu.memory_space<vmem>>, vector<1x32x128xf32>,
    %get3A_464 = arith.constant 15 : index
    %get3A_465 = arith.constant 0 : index
    %get3A_466 = arith.constant 0 : index
    %get3A_467 = vector.load %arg0[%get3A_464, %get3A_465, %get3A_466] : memref<16x3x4096xf32, #tpu.memory_space<vmem>>, vector<1x3x4096xf32>
    %get3A_468 = vector.shape_cast %get3A_467 : vector<1x3x4096xf32> to vector<3x4096xf32>
    %get3A_469 = arith.constant 15 : index
    %get3A_470 = arith.constant 0 : index
    %get3A_471 = arith.constant 0 : index
    %get3A_472 = vector.load %arg1[%get3A_469, %get3A_470, %get3A_471] : memref<16x3x4096xf32, #tpu.memory_space<vmem>>, vector<1x3x4096xf32>
    %get3A_473 = vector.shape_cast %get3A_472 : vector<1x3x4096xf32> to vector<3x4096xf32>
    %sub3A_474 = arith.subf %get3A_468, %get3A_473 : vector<3x4096xf32>
    %mul3A_475 = arith.mulf %sub3A_474, %sub3A_474 : vector<3x4096xf32>
    %dot_general3A_476 = arith.constant dense<0.000000e+00> : vector<1x4096xf32>
    %dot_general3A_477 = tpu.matmul %broadcast_in_dim3A_0, %mul3A_475, %dot_general3A_476 {dimension_numbers = #tpu.dot_dimension_numbers<[1], [0], [0], [1], [0, 0, 1, 1], [], []>, transpose_lhs_hint = false} : vector<1x3xf32>, vector<3x4096xf32>, vector<1x4096xf32> -> vector<1x4096xf32>
    %sqrt3A_478 = math.sqrt %dot_general3A_477 : vector<1x4096xf32>
    %reshape3A_479 = vector.shape_cast %sqrt3A_478 : vector<1x4096xf32> to vector<32x128xf32>
    %dot_general3A_480 = arith.constant dense<0.000000e+00> : vector<32x128xf32>
    %dot_general3A_481 = tpu.matmul %reshape3A_479, %convert_element_type3A_2, %dot_general3A_480 {dimension_numbers = #tpu.dot_dimension_numbers<[1], [0], [0], [1], [0, 0, 1, 1], [], []>, transpose_lhs_hint = false} : vector<32x128xf32>, vector<128x128xf32>, vector<32x128xf32> -> vector<32x128xf32>
    %reduce_sum3A_482 = arith.constant dense<0.000000e+00> : vector<32xf32>
    %reduce_sum3A_483 = vector.multi_reduction <add>, %reshape3A_479, %reduce_sum3A_482 [1] : vector<32x128xf32> to vector<32xf32>
    %broadcast_in_dim3A_484 = vector.shape_cast %reduce_sum3A_483 : vector<32xf32> to vector<32x1xf32>
    %dot_general3A_485 = arith.constant dense<0.000000e+00> : vector<32x1xf32>
    %dot_general3A_486 = tpu.matmul %convert_element_type3A_7, %broadcast_in_dim3A_484, %dot_general3A_485 {dimension_numbers = #tpu.dot_dimension_numbers<[1], [0], [0], [1], [0, 0, 1, 1], [], []>, transpose_lhs_hint = false} : vector<32x32xf32>, vector<32x1xf32>, vector<32x1xf32> -> vector<32x1xf32>
    %add3A_487 = vector.broadcast %dot_general3A_486 : vector<32x1xf32> to vector<32x128xf32>
    %add3A_488 = arith.addf %dot_general3A_481, %add3A_487 : vector<32x128xf32>
    %swap3A_489 = arith.constant 15 : index
    %swap3A_490 = arith.constant 0 : index
    %swap3A_491 = arith.constant 0 : index
    %swap3A_492 = vector.load %arg2[%swap3A_489, %swap3A_490, %swap3A_491] : memref<16x32x128xf32, #tpu.memory_space<vmem>>, vector<1x32x128xf32>
    %swap3A_493 = vector.shape_cast %swap3A_492 : vector<1x32x128xf32> to vector<32x128xf32>
    %swap3A_494 = vector.shape_cast %add3A_488 : vector<32x128xf32> to vector<1x32x128xf32>
    tpu.vector_store %arg2[%swap3A_489, %swap3A_490, %swap3A_491], %swap3A_494 {strides = array<i32>} : memref<16x32x128xf32, #tpu.memory_space<vmem>>, vector<1x32x128xf32>,
    return
  }
}

</mosaic_0001>

<sc_bundles>
// kernel: kernel.4.cloned.1.call-start
scs
__scs_entry_jumppad:
0x0: {  	(pc) =	sbr.rel $0x88, $3  }
0x1: {  	(tag) =	ssettag $0x0;
	lr =	simm.s32 $0x1  }
0x2: {  	[smem:$0x3F9D] =	sst lr;
	_ =	strace $0xD0000000  }
0x3: {  	_ = 	snop  }
0x4: {  	_ = 	snop  }
0x5: {  	_ = 	snop  }
0x6: {  	_ = 	snop  }
0x7: {  	_ = 	snop  }
__scs_overlays_trampoline_lowered:
0x8: {  	[smem:$0x3FAC] =	sst s0  }
0x9: {  	[smem:$0x3FAD] =	sst s1  }
0xa: {  	[smem:$0x3FAE] =	sst s2  }
0xb: {  	[smem:$0x3FAF] =	sst s3  }
0xc: {  	[smem:$0x3FB0] =	sst s4  }
0xd: {  	[smem:$0x3FB1] =	sst s5  }
0xe: {  	[smem:$0x3FB2] =	sst s6  }
0xf: {  	[smem:$0x3FB3] =	sst s7  }
0x10: {  	[smem:$0x3FB4] =	sst s8  }
0x11: {  	[smem:$0x3FB5] =	sst s9;
	s0 =	simm.s32 @!p0 $0x0  }
0x12: {  	s1 =	sld [smem:$0x3F9B];
	s0 =	simm.s32 @p0 $0x1  }
0x13: {  	[smem:$0x3FB6] =	sst s0;
	s0 =	simm.s32 @!p1 $0x0  }
0x14: {  	s2 =	sld [smem:$0x3F9A];
	s0 =	simm.s32 @p1 $0x1  }
0x15: {  	[smem:$0x3FB7] =	sst s0;
	s0 =	simm.s32 @!p2 $0x0  }
0x16: {  	s3 =	sld [smem:$0x3FDB];
	s0 =	simm.s32 @p2 $0x1  }
0x17: {  	s4 =	simm.s32 $0x1BF5;
	[smem:$0x3FB9] =	sst s0  }
0x18: {  	s0 =	sld [smem:$0x3F9C];
	_ =	swait.ge [sflag:s4], $0x0  }
0x19: {  	s7 =	sld [smem:$0x3F9D]  }
0x1a: {  	s8 =	sadd.s32 $0xFFFFE003, lr  }
0x1b: {  	s9 =	sadd.s32 $0xFFFFFEF7, lr;
	s5 =	simm.s32 $0xFFFFFFFF;
	p2 =	slt.u32 s8, $0xFFFFF086  }
0x1c: {  	p1 =	slt.u32 s9, $0xF7A;
	s5 =	simm.s32 @!p2 $0x0  }
0x1d: {  	s5 =	simm.s32 @p1 $0x1;
	p0 =	seq.s32 s7, s2  }
0x1e: {  	s7 =	smul.u32 @!p0 $0xF7A, s2;
	p2 =	seq.s32 @!p0 s5, $0x0  }
0x1f: {  	s9 =	smul.u32 $0xF7A, s1;
	s8 =	simm.s32 @!p0 $0x1BF5;
	p2 =	por !p2, p0  }
0x20: {  	[sflag:s8] =	ssyncset.s32 @!p0 $0xFFFFF086;
	s6 =	sadd.s32 @!p0 s3, s7;
	s7 =	simm.s32 @!p0 $0x108  }
0x21: {  	s3 =	sadd.s32 s3, s9;
	s6 =	sadd.s32 @!p0 $0x88, s6;
	s7 =	simm.s32 @p2 $0x1082  }
0x22: {  	[simem:s7], [sflag:s8] =	dma.local @!p0 [hbm:s6], $0xF7A  }
0x23: {  	s9 =	sor.u32 $0xD0000000, s2;
	s6 =	simm.s32 $0x108;
	_ =	swait.ge @!p0 [sflag:s8], $0x0  }
0x24: {  	s3 =	sadd.s32 $0x88, s3;
	s6 =	simm.s32 @!p1 $0x1082;
	[sflag:s4] =	ssyncset.s32 $0xFFFFF086  }
0x25: {  	[simem:s6], [sflag:s4] =	dma.local [hbm:s3], $0xF7A  }
0x26: {  	[smem:$0x3F9D] =	sst s1;
	(tag) =	ssettag s2;
	_ =	strace s9  }
0x27: {  	s1 =	sld [smem:$0x3FAD]  }
0x28: {  	s2 =	sld [smem:$0x3FAE]  }
0x29: {  	s4 =	sld [smem:$0x3FB0]  }
0x2a: {  	p0 =	seq.s32 s5, $0x0;
	s5 =	sld [smem:$0x3FB1]  }
0x2b: {  	s6 =	sld [smem:$0x3FB2]  }
0x2c: {  	s7 =	sld [smem:$0x3FB3]  }
0x2d: {  	s3 =	simm.s32 $0x108;
	s8 =	sld [smem:$0x3FB4]  }
0x2e: {  	s3 =	simm.s32 @!p0 $0x1082;
	s9 =	sld [smem:$0x3FB5]  }
0x2f: {  	lr =	sadd.s32 s0, s3;
	s0 =	sld [smem:$0x3FAC]  }
0x30: {  	s3 =	sld [smem:$0x3FAF]  }
0x31: {  	[smem:$0x3FB8] =	sst s10  }
0x32: {  	s10 =	sld [smem:$0x3FB6];
	_ =	sdelay $0x3  }
0x33: {  	p0 =	seq.s32 s10, $0x1;
	s10 =	sld [smem:$0x3FB8];
	_ =	sdelay $0x3  }
0x34: {  	[smem:$0x3FB8] =	sst s10  }
0x35: {  	s10 =	sld [smem:$0x3FB7];
	_ =	sdelay $0x3  }
0x36: {  	p1 =	seq.s32 s10, $0x1;
	s10 =	sld [smem:$0x3FB8];
	_ =	sdelay $0x3  }
0x37: {  	[smem:$0x3FB8] =	sst s10  }
0x38: {  	s10 =	sld [smem:$0x3FB9]  }
0x39: {  	_ = 	snop;
	(pc) =	sbr.ind lr, $3  }
0x3a: {  	_ = 	snop  }
0x3b: {  	_ = 	snop  }
0x3c: {  	p2 =	seq.s32 s10, $0x1;
	s10 =	sld [smem:$0x3FB8]  }
0x3d: {  	_ =	shalt  }
0x3e: {  	_ =	shalt  }
0x3f: {  	_ =	shalt  }
0x40: {  	_ =	shalt  }
0x41: {  	_ =	shalt  }
0x42: {  	_ =	shalt  }
0x43: {  	_ =	shalt  }
0x44: {  	_ =	shalt  }
0x45: {  	_ =	shalt  }
0x46: {  	_ =	shalt  }
0x47: {  	_ =	shalt  }
0x48: {  	_ =	shalt  }
0x49: {  	_ =	shalt  }
0x4a: {  	_ =	shalt  }
0x4b: {  	_ =	shalt  }
0x4c: {  	_ =	shalt  }
0x4d: {  	_ =	shalt  }
0x4e: {  	_ =	shalt  }
0x4f: {  	_ =	shalt  }
0x50: {  	_ =	shalt  }
0x51: {  	_ =	shalt  }
0x52: {  	_ =	shalt  }
0x53: {  	_ =	shalt  }
0x54: {  	_ =	shalt  }
0x55: {  	_ =	shalt  }
0x56: {  	_ =	shalt  }
0x57: {  	_ =	shalt  }
0x58: {  	_ =	shalt  }
0x59: {  	_ =	shalt  }
0x5a: {  	_ =	shalt  }
0x5b: {  	_ =	shalt  }
0x5c: {  	_ =	shalt  }
0x5d: {  	_ =	shalt  }
0x5e: {  	_ =	shalt  }
0x5f: {  	_ =	shalt  }
0x60: {  	_ =	shalt  }
0x61: {  	_ =	shalt  }
0x62: {  	_ =	shalt  }
0x63: {  	_ =	shalt  }
0x64: {  	_ =	shalt  }
0x65: {  	_ =	shalt  }
0x66: {  	_ =	shalt  }
0x67: {  	_ =	shalt  }
0x68: {  	_ =	shalt  }
0x69: {  	_ =	shalt  }
0x6a: {  	_ =	shalt  }
0x6b: {  	_ =	shalt  }
0x6c: {  	_ =	shalt  }
0x6d: {  	_ =	shalt  }
0x6e: {  	_ =	shalt  }
0x6f: {  	_ =	shalt  }
0x70: {  	_ =	shalt  }
0x71: {  	_ =	shalt  }
0x72: {  	_ =	shalt  }
0x73: {  	_ =	shalt  }
0x74: {  	_ =	shalt  }
0x75: {  	_ =	shalt  }
0x76: {  	_ =	shalt  }
0x77: {  	_ =	shalt  }
0x78: {  	_ =	shalt  }
0x79: {  	_ =	shalt  }
0x7a: {  	_ =	shalt  }
0x7b: {  	_ =	shalt  }
0x7c: {  	_ =	shalt  }
0x7d: {  	_ =	shalt  }
0x7e: {  	_ =	shalt  }
0x7f: {  	_ =	shalt  }
0x80: {  	_ =	shalt  }
0x81: {  	_ =	shalt  }
0x82: {  	_ =	shalt  }
0x83: {  	_ =	shalt  }
0x84: {  	_ =	shalt  }
0x85: {  	_ =	shalt  }
0x86: {  	_ =	shalt  }
0x87: {  	_ =	shalt  }
.Lfunc_end0:
.L_simem_size_0:
called_computation_lowered:
.L_overlay_start_0:
0x88: {  	s2 =	sld [smem:$0x3FD9]  }
0x89: {  	s3 =	sld [smem:$0x3FFE];
	_ =	sdelay $0x1  }
0x8a: {  	s1 =	srdreg.scid  }
0x8b: {  	s0 =	sand.u32 $0x1, s1  }
0x8c: {  	s17 =	sshll.u32 s0, $0xA;
	s2 =	sadd.s32 s3, s2  }
0x8d: {  	s2 =	sadd.s32 s2, s17  }
0x8e: {  	[smem:$0x3FC4] =	sst s2  }
0x8f: {  	_ = 	snop  }
0x90: {  	s2 =	sld [smem:$0x3FC7];
	(tm) =	ssettm $0x1  }
0x91: {  	s18 =	sld [smem:$0x3FFB];
	_ =	sdelay $0x3  }
0x92: {  	_ =	strace s18  }
0x93: {  	s3 =	sld [smem:$0x3FFC];
	_ =	sdelay $0x3  }
0x94: {  	_ =	strace s3  }
0x95: {  	s3 =	sld [smem:$0x3FFD];
	_ =	sdelay $0x3  }
0x96: {  	_ =	strace s3  }
0x97: {  	_ =	strace $0x8FFFFFFF  }
0x98: {  	s19 =	sld [smem:$0x3FDB];
	_ =	sdelay $0x1  }
0x99: {  	s4 =	simm.s32 $_scs_section_size  }
0x9a: {  	s5 =	simm.s32 $_size__tile_overlayer_lowered;
	s6 =	simm.s32 $_tile_overlayer_lowered  }
0x9b: {  	s22 =	simm.s32 $0x1BFF;
	s21 =	sshll.u32 s6, $0x1;
	s3 =	sadd.s32 s4, s19  }
0x9c: {  	s7 =	simm.s32 $0x0;
	s20 =	sshll.u32 s5, $0x1;
	s5 =	sadd.s32 s21, s3  }
0x9d: {  	[timem:s7], [sflag:s22] =	dma.local [hbm:s5], s20  }
0x9e: {  	_ =	swait.ge [sflag:s22], s20  }
0x9f: {  	s4 =	ssub.s32 $0x0, s20;
	[sflag:s22] =	ssyncset.done $0x0  }
0xa0: {  	[sflag:s22] =	ssyncadd.s32 s4;
	_ =	sdelay $0x1  }
0xa1: {  	s23 =	simm.s32 $0x1B8B  }
0xa2: {  	_ =	swait.ge [sflag:s23], $0x1  }
0xa3: {  	[sflag:s23] =	ssyncset.done $0x0  }
0xa4: {  	s25 =	simm.s32 $0x1B8E;
	s24 =	sld [smem:$0x3FFE];
	[sflag:s23] =	ssyncadd.s32 $0xFFFFFFFF  }
0xa5: {  	s26 =	simm.s32 $execute0_lowered;
	[smem:$0x3FD2] =	sst s25  }
0xa6: {  	s5 =	sshll.u32 s26, $0x1;
	_ =	strace $0x80000046;
	[dreg:$0x1] =	wrdreg $0xFFFFFFFF  }
0xa7: {  	s28 =	simm.s32 $_size_execute0_lowered;
	s3 =	sadd.s32 s3, s5;
	[dreg:$0x0] =	wrdreg $0x0  }
0xa8: {  	s5 =	sshll.u32 s28, $0x1;
	[dreg:$0x2] =	wrdreg s3  }
0xa9: {  	[dreg:$0x3] =	wrdreg s5  }
0xaa: {  	[dreg:$0x4] =	wrdreg $0xC0  }
0xab: {  	_ =	task [dreg:s7], $0x5FFFF  }
0xac: {  	[dreg:$0x1] =	wrdreg $0xFFFFFFFF  }
0xad: {  	[dreg:$0x0] =	wrdreg $0x60  }
0xae: {  	[dreg:$0x2] =	wrdreg s24  }
0xaf: {  	[dreg:$0x3] =	wrdreg s2  }
0xb0: {  	[dreg:$0x4] =	wrdreg $0x9  }
0xb1: {  	_ =	task.clear_ibuf [dreg:s7], $0x5FFFF;
	_ =	strace $0x90000046  }
0xb2: {  	s29 =	simm.s32 $0x9;
	_ =	strace $0x80000048  }
0xb3: {  	_ =	swait.ge [sflag:s29], $0x1  }
0xb4: {  	[sflag:s29] =	ssyncadd.s32 $0xFFFFFFFF  }
0xb5: {  	_ =	strace $0x90000048  }
0xb6: {  	_ =	sfence  }
0xb7: {  	s30 =	sld [smem:$0x0];
	_ =	sdelay $0x2  }
0xb8: {  	s31 =	sshll.u32 s1, $0xD;
	s1 =	sshrl.u32 s1, $0x2  }
0xb9: {  	s3 =	sand.u32 $0x4000, s31;
	s1 =	sadd.s32 s1, s30  }
0xba: {  	s0 =	sor.u32 s3, s0;
	s1 =	sshll.u32 s1, $0x11  }
0xbb: {  	s0 =	sor.u32 s1, s0  }
0xbc: {  	s0 =	sadd.s32 $0x8F2B, s0  }
0xbd: {  	[sflag:s0] =	ssyncadd.remote.s32 $0x1  }
0xbe: {  	_ =	sfence.sel $0xFFFF  }
0xbf: {  	[dreg:$0x0] =	wrdreg $0xFFFFFFFF;
	(pc) =	sbr.abs _section_cstart, $3  }
0xc0: {  	[dreg:$0x1] =	wrdreg $0xFFFFFFFF  }
0xc1: {  	_ =	task.clear_ibuf [dreg:s7], $0x2FFFF;
	_ =	strace $0x9FFFFFFF  }
0xc2: {  	(tm) =	ssettm $0x7FFFFFFF  }
0xc3: {  	_ =	shalt  }
tec
execute0_lowered:
.L_overlay_start_1:
0x0: {  	(tag) =	ssettag $0x1  }
0x1: {  	s1 =	srdreg.scid  }
0x2: {  	s1 =	sand.u32 $0x1, s1  }
0x3: {  	p0 =	seq.s32 s1, $0x1  }
.Ltmp0:
0x4: {  	_ = 	snop;
	(pc) =	sbr.rel @p0 .LBB2_2-.Ltmp0, $4  }
0x5: {  	s3 =	rddreg [dreg:$0x0]  }
0x6: {  	s6 =	rddreg [dreg:$0x1];
	s2 =	simm.s32 $0x0  }
0x7: {  	[smem:$0x7FF] =	sst s2  }
0x8: {  	s0 =	rddreg [dreg:$0x2];
	_ =	strace $0x80000047;
	s1 =	stileid.u32  }
0x9: {  	s4 =	sadd.s32 $0x1000, s3;
	s5 =	sshll.u32 s1, $0x9  }
0xa: {  	s25 =	simm.s32 $0x1;
	s4 =	sadd.s32 s4, s5  }
0xb: {  	vm6 =	vcmask $0x704;
	v0 =	vimm.s32 $0x0;
	[tilespmem:s2], [sflag:$0x1] =	stream.linear.gather [hbm4b:s4+s2], $0x1000, $0x38;
	[tilespmem:$0x1900] =	vst v63  }
0xc: {  	vm5 =	vcmask $0xB08;
	v2 =	vimm.s32 $0x1;
	v1 =	vsel vm6, $0x80, v0;
	_ =	swait.ge [sflag:s25], $0x1000  }
0xd: {  	s26 =	sshll.u32 s1, $0x4;
	vm0 =	vcmask $0xF0C;
	v2 =	vsel vm6, $0x81, v2;
	v1 =	vsel vm5, $0x100, v1;
	[sflag:s25] =	ssyncset.done $0x0  }
0xe: {  	s7 =	simm.s32 $0x1000;
	vm1 =	vcmask $0x1310;
	s6 =	sadd.s32 s6, s26;
	v2 =	vsel vm5, $0x101, v2;
	v1 =	vsel vm0, $0x180, v1;
	[sflag:s25] =	ssyncadd.s32 $0xFFFFF000  }
0xf: {  	vm2 =	vcmask $0x1714;
	v2 =	vsel vm0, $0x181, v2;
	v1 =	vsel vm1, $0x200, v1;
	[tilespmem:s7], [sflag:$0x1] =	stream.linear.gather [hbm4b:s6+s2], $0x80, $0x38;
	[tilespmem:$0x1900] =	vst v63  }
0x10: {  	vm3 =	vcmask $0x1B18;
	v2 =	vsel vm1, $0x201, v2;
	v1 =	vsel vm2, $0x280, v1;
	_ =	swait.ge [sflag:s25], $0x80  }
0x11: {  	s28 =	sshll.u32 s1, $0x8;
	vm4 =	vcmask $0x1F1C;
	v2 =	vsel vm2, $0x281, v2;
	v1 =	vsel vm3, $0x300, v1;
	[sflag:s25] =	ssyncset.done $0x0  }
0x12: {  	s29 =	simm.s32 $0x1080;
	s8 =	sadd.s32 s3, s28;
	v2 =	vsel vm3, $0x301, v2;
	v1 =	vsel vm4, $0x380, v1;
	[sflag:s25] =	ssyncadd.s32 $0xFFFFFF80  }
0x13: {  	v2 =	vsel vm4, $0x381, v2;
	[tilespmem:s29], [sflag:$0x1] =	stream.linear.gather [hbm4b:s8+s2], $0x480, $0x38;
	[tilespmem:$0x1900] =	vst v63  }
0x14: {  	_ =	swait.ge [sflag:s25], $0x480  }
0x15: {  	[sflag:s25] =	ssyncset.done $0x0  }
0x16: {  	[sflag:s25] =	ssyncadd.s32 $0xFFFFFB80  }
0x17: {  	v3 =	vimm.s32 $0x76543210;
	v4 =	vimm.s32 $0x87654321;
	v1 =	vld.idx.msk [tilespmem:v1+s29+$0x0], $0xff  }
0x18: {  	vm7 =	vcmask $0x2300;
	v5 =	vimm.s32 $0x2;
	v10 =	vimm.s32 $0x3;
	v2 =	vld.idx.msk [tilespmem:v2+s29+$0x0], $0xff  }
0x19: {  	v6 =	vimm.s32 $0x4;
	v7 =	vimm.s32 $0x5;
	v8 =	vimm.s32 $0x6  }
0x1a: {  	vm15 =	vcmask $0x1F00;
	v3 =	vunpack.c.l.s4.s8 v3;
	v4 =	vunpack.c.l.s4.s8 v4  }
0x1b: {  	v9 =	vsel vm6, $0x82, v5;
	v5 =	vsel vm6, $0x83, v10;
	v6 =	vsel vm6, $0x84, v6  }
0x1c: {  	v7 =	vsel vm6, $0x85, v7;
	v8 =	vsel vm6, $0x86, v8;
	v5 =	vsel vm5, $0x103, v5  }
0x1d: {  	v6 =	vsel vm5, $0x104, v6;
	v3 =	vunpack.c.0.s8.s32 v3;
	vm14 =	vgt.f32 v2, v1  }
0x1e: {  	v4 =	vunpack.c.0.s8.s32 v4;
	v1 =	vsel vm14, v2, v1;
	v2 =	vsel vm5, $0x102, v9  }
0x1f: {  	v7 =	vsel vm5, $0x105, v7;
	v8 =	vsel vm5, $0x106, v8;
	v2 =	vsel vm0, $0x182, v2  }
0x20: {  	v3 =	vnsel vm7, $0x0, v3;
	v4 =	vand.u32 $0xF, v4;
	v2 =	vsel vm1, $0x202, v2  }
0x21: {  	v5 =	vsel vm0, $0x183, v5;
	v4 =	vnsel vm15, $0x0, v4;
	v2 =	vsel vm2, $0x282, v2  }
0x22: {  	v6 =	vsel vm0, $0x184, v6;
	v5 =	vsel vm1, $0x203, v5;
	v2 =	vsel vm3, $0x302, v2  }
0x23: {  	v7 =	vsel vm0, $0x185, v7;
	v5 =	vsel vm2, $0x283, v5;
	v2 =	vsel vm4, $0x382, v2  }
0x24: {  	v8 =	vsel vm0, $0x186, v8;
	v6 =	vsel vm1, $0x204, v6;
	v5 =	vsel vm3, $0x303, v5  }
0x25: {  	v7 =	vsel vm1, $0x205, v7;
	v6 =	vsel vm2, $0x284, v6;
	v5 =	vsel vm4, $0x383, v5;
	v3 =	vld.idx.msk [tilespmem:v3+s7+$0x0], $0xff  }
0x26: {  	v8 =	vsel vm1, $0x206, v8;
	v6 =	vsel vm3, $0x304, v6;
	v4 =	vld.idx.msk [tilespmem:v4+s7+$0x0], $0xff;
	v9 =	vimm.s32 $0x7  }
0x27: {  	v7 =	vsel vm2, $0x285, v7;
	v6 =	vsel vm4, $0x384, v6;
	v9 =	vsel vm6, $0x87, v9  }
0x28: {  	v8 =	vsel vm2, $0x286, v8;
	v7 =	vsel vm3, $0x305, v7;
	v9 =	vsel vm5, $0x107, v9;
	v2 =	vld.idx.msk [tilespmem:v2+s29+$0x0], $0xff  }
0x29: {  	v8 =	vsel vm3, $0x306, v8;
	v7 =	vsel vm4, $0x385, v7;
	v9 =	vsel vm0, $0x187, v9  }
0x2a: {  	v8 =	vsel vm4, $0x386, v8;
	v5 =	vld.idx.msk [tilespmem:v5+s29+$0x0], $0xff;
	vm0 =	vmmov $0xff;
	v9 =	vsel vm1, $0x207, v9  }
0x2b: {  	v10 =	vnsel vm0, $0x0, v3;
	v3 =	vsub.s32 v4, v3;
	v9 =	vsel vm2, $0x287, v9  }
0x2c: {  	v6 =	vld.idx.msk [tilespmem:v6+s29+$0x0], $0xff;
	v4 =	vnsel vm0, $0x0, v4;
	v3 =	vcvt.s32.f32 v3;
	v9 =	vsel vm3, $0x307, v9  }
0x2d: {  	v9 =	vsel vm4, $0x387, v9;
	vm9 =	vgt.f32 v2, v1  }
0x2e: {  	v12 =	vld.idx.msk [tilespmem:v7+s29+$0x0], $0xff;
	v11 =	vnsel vm0, $0x3F800000, v3;
	v1 =	vsel vm9, v2, v1  }
0x2f: {  	v14 =	vld.idx.msk [tilespmem:v8+s29+$0x0], $0xff;
	(erf) = vrcp.f32 v11;
	vm10 =	vgt.f32 v5, v1  }
0x30: {  	v13 =	vld.idx.msk [tilespmem:v10+s2+$0x0], $0xff;
	v1 =	vsel vm10, v5, v1  }
0x31: {  	v4 =	vld.idx.msk [tilespmem:v4+s2+$0x0], $0xff;
	vm11 =	vgt.f32 v6, v1  }
0x32: {  	v0 =	vsel vm14, $0x1, v0;
	v15 =	vld.idx.msk [tilespmem:v9+s29+$0x0], $0xff;
	v1 =	vsel vm11, v6, v1  }
0x33: {  	v0 =	vsel vm9, $0x2, v0;
	vm12 =	vgt.f32 v12, v1  }
0x34: {  	v0 =	vsel vm10, $0x3, v0;
	v1 =	vsel vm12, v12, v1  }
0x35: {  	v0 =	vsel vm11, $0x4, v0;
	vm2 =	vgt.f32 v14, v1  }
0x36: {  	v0 =	vsel vm12, $0x5, v0;
	v1 =	vsel vm2, v14, v1  }
0x37: {  	v2 =	vsub.f32 v4, v13;
	v0 =	vsel vm2, $0x6, v0;
	vm1 =	vgt.f32 v15, v1  }
0x38: {  	v16 =	vpop (erf);
	v0 =	vsel vm1, $0x7, v0  }
0x39: {  	v1 =	vmul.f32 v16, v2;
	vm13 =	veq.s32 v0, $0x0  }
0x3a: {  	v17 =	vimm.f32 $0.0e+00;
	vm14 =	vmand vm13, vm0  }
0x3b: {  	v2 =	vsel vm15, $0x3F800000, v17;
	vm15 =	veq.s32 v0, $0x1;
	v18 =	vnsel vm14, $0x0, v1  }
0x3c: {  	v19 =	vnsel vm13, $0x0, v2;
	vm7 =	vmand vm15, vm0;
	(xrf2) =	vadd.scan.msk.f32 $0xffff, v18  }
0x3d: {  	vm8 =	veq.s32 v0, $0x2;
	v20 =	vnsel vm7, $0x0, v1;
	(xrf2) =	vadd.scan.msk.f32 $0xffff, v19  }
0x3e: {  	v21 =	vnsel vm15, $0x0, v2;
	vm9 =	vmand vm8, vm0;
	(xrf2) =	vadd.scan.msk.f32 $0xffff, v20  }
0x3f: {  	vm10 =	veq.s32 v0, $0x3;
	v22 =	vnsel vm9, $0x0, v1;
	(xrf2) =	vadd.scan.msk.f32 $0xffff, v21  }
0x40: {  	v23 =	vnsel vm8, $0x0, v2;
	vm11 =	vmand vm10, vm0;
	(xrf2) =	vadd.scan.msk.f32 $0xffff, v22  }
0x41: {  	vm12 =	veq.s32 v0, $0x4;
	v24 =	vnsel vm11, $0x0, v1;
	(xrf2) =	vadd.scan.msk.f32 $0xffff, v23  }
0x42: {  	v25 =	vnsel vm10, $0x0, v2;
	vm13 =	vmand vm12, vm0;
	(xrf2) =	vadd.scan.msk.f32 $0xffff, v24  }
0x43: {  	v26 =	vnsel vm13, $0x0, v1;
	vm14 =	veq.s32 v0, $0x5;
	(xrf2) =	vadd.scan.msk.f32 $0xffff, v25  }
0x44: {  	vm15 =	vmneg vm1;
	v27 =	vnsel vm12, $0x0, v2;
	vm6 =	vmand vm14, vm0;
	(xrf2) =	vadd.scan.msk.f32 $0xffff, v26  }
0x45: {  	vm2 =	vmand vm15, vm2;
	v28 =	vnsel vm6, $0x0, v1;
	(xrf2) =	vadd.scan.msk.f32 $0xffff, v27  }
0x46: {  	v30 =	vnsel vm14, $0x0, v2;
	vm7 =	vmand vm2, vm0;
	v29, _, _ =	vpop (xrf2);
	(xrf2) =	vadd.scan.msk.f32 $0xffff, v28  }
0x47: {  	v32 =	vnsel vm7, $0x0, v1;
	v31, _, _ =	vpop (xrf2);
	(xrf2) =	vadd.scan.msk.f32 $0xffff, v30  }
0x48: {  	v34 =	vnsel vm2, $0x0, v2;
	vm0 =	vmand vm1, vm0;
	v33, _, _ =	vpop (xrf2);
	(xrf2) =	vadd.scan.msk.f32 $0xffff, v32  }
0x49: {  	v36 =	vnsel vm0, $0x0, v1;
	v35, _, _ =	vpop (xrf2);
	(xrf2) =	vadd.scan.msk.f32 $0xffff, v34  }
0x4a: {  	v40 =	vnsel vm1, $0x0, v2;
	vm8 =	vmmov $0x1;
	v39, _, _ =	vpop (xrf2);
	(xrf2) =	vadd.scan.msk.f32 $0xffff, v36  }
0x4b: {  	vm10 =	vcmask $0x720;
	vm12 =	vcmask $0xF20;
	vm9 =	vcmask $0x320;
	v43, _, _ =	vpop (xrf2);
	(xrf2) =	vadd.scan.msk.f32 $0xffff, v40  }
0x4c: {  	vm11 =	vcmask $0xB20;
	vm13 =	vcmask $0x1320;
	v37 =	vbroadcast v29, $0xF;
	v44, _, _ =	vpop (xrf2)  }
0x4d: {  	vm15 =	vcmask $0x1B20;
	v38 =	vbroadcast v31, $0xF;
	v41 =	vbroadcast v33, $0xF;
	v45, _, _ =	vpop (xrf2)  }
0x4e: {  	vm14 =	vcmask $0x1720;
	v1 =	vnsel vm8, $0x0, v37;
	v42 =	vbroadcast v35, $0xF;
	v48, _, _ =	vpop (xrf2)  }
0x4f: {  	v3 =	vnsel vm8, $0x0, v38;
	v1 =	vsel vm9, v1, v41;
	v47 =	vbroadcast v39, $0xF;
	v50, _, _ =	vpop (xrf2)  }
0x50: {  	v46 =	vsel vm9, v3, v42;
	v49 =	vbroadcast v43, $0xF;
	v0 =	vbroadcast v44, $0xF;
	v52, _, _ =	vpop (xrf2)  }
0x51: {  	v1 =	vsel vm10, v1, v47;
	v51 =	vbroadcast v45, $0xF;
	v54 =	vbroadcast v48, $0xF;
	v53, _, _ =	vpop (xrf2)  }
0x52: {  	v2 =	vsel vm10, v46, v49;
	v0 =	vsel vm11, v1, v0;
	v55 =	vbroadcast v50, $0xF;
	v56, _, _ =	vpop (xrf2)  }
0x53: {  	v2 =	vsel vm11, v2, v51;
	v57 =	vbroadcast v52, $0xF;
	v0 =	vsel vm12, v0, v54;
	v58, _, _ =	vpop (xrf2)  }
0x54: {  	v1 =	vbroadcast v53, $0xF;
	v2 =	vsel vm12, v2, v55;
	v60 =	vbroadcast v56, $0xF;
	v59, _, _ =	vpop (xrf2)  }
0x55: {  	v0 =	vsel vm13, v0, v57;
	v61 =	vbroadcast v58, $0xF;
	v62, _, _ =	vpop (xrf2);
	v3 =	vbroadcast v59, $0xF  }
0x56: {  	v1 =	vsel vm13, v2, v1;
	v0 =	vsel vm14, v0, v60;
	v63 =	vbroadcast v62, $0xF  }
0x57: {  	v1 =	vsel vm14, v1, v61;
	v0 =	vsel vm15, v0, v3  }
0x58: {  	s30 =	sadd.s32 $0x3000, s3;
	v1 =	vsel vm15, v1, v63;
	[tilespmem:$0x1880] =	vst v0  }
0x59: {  	s31 =	simm.s32 $0x1880;
	s3 =	sadd.s32 s30, s26;
	[tilespmem:$0x1890] =	vst v1  }
0x5a: {  	[hbm4b:s3+s2] =	stream.linear.scatter [tilespmem:s31], [sflag:$0x1], $0x80, $0x38;
	[tilespmem:$0x1900] =	vst v63  }
0x5b: {  	_ =	swait.ge [sflag:s25], $0x80  }
0x5c: {  	[sflag:s25] =	ssyncset.done $0x0  }
0x5d: {  	[sflag:s25] =	ssyncadd.s32 $0xFFFFFF80  }
.LBB2_2:
0x5e: {  	_ =	sfence.sel $0x180000  }
0x5f: {  	[bflag:$0x0] =	sbarrier.arrive $0xFFFF  }
0x60: {  	p0 =	sne.s32 s1, $0x0;
	_ =	strace $0x90000047  }
0x61: {  	s0 =	sadd.s32 @!p0 $0x100000, s0;
	[bflag:$0x2] =	sbarrier.arrive $0xFFFF  }
0x62: {  	[sflag:s0] =	ssyncadd.tile.s32 @!p0 $0x1;
	_ =	shalt  }
.Lfunc_end2:
_tile_overlayer_lowered:
.L_overlay_start_2:
0x63: {  	(tag) =	ssettag $0x2  }
0x64: {  	s0 =	rddreg [dreg:$0x0];
	s2 =	stileid.u32  }
0x65: {  	s1 =	rddreg [dreg:$0x1];
	p0 =	sne.s32 s2, $0x0  }
0x66: {  	s3 =	rddreg [dreg:$0x2];
	[bflag:$0x3] =	sbarrier.arrive $0xFFFF;
	s2 =	simm.s32 @!p0 $0x1C01  }
0x67: {  	[timem:s3], [sflag:s2] =	dma.local @!p0 [hbm:s0], s1  }
0x68: {  	s0 =	simm.s32 @!p0 $0x1  }
0x69: {  	_ =	swait.ge @!p0 [sflag:s0], s1  }
0x6a: {  	s1 =	ssub.s32 @!p0 $0x0, s1;
	[sflag:s0] =	ssyncset.done @!p0 $0x0  }
0x6b: {  	[sflag:s0] =	ssyncadd.s32 @!p0 s1  }
0x6c: {  	[bflag:$0x3] =	sbarrier.arrive $0xFFFF  }
0x6d: {  	_ =	shalt  }

</sc_bundles>
